<compile_context>
chip_gen: v7x
topology: tpu7x:2x2x1
jax: 0.10.2.dev20260603
libtpu: 0.0.44.dev20260713+nightly
codegen_flags: <defaults>
</compile_context>

<pallas_src>
import functools
import math

import jax
import jax.numpy as jnp
from jax import lax
from jax.experimental import pallas as pl
from jax.experimental.pallas import tpu as pltpu
from jax.experimental.pallas import tpu_sc as plsc

N_CLUSTERS = 32
DELTA_DIST = 1.5
W_VAR, W_DIST, W_REG, W_SMOOTH, W_SEED = 3.0, 1.0, 0.001, 5.0, 5.0

_LOG_LO = math.log(1e-12)
_PMAX = 1.0 - 1e-12

_NC, _NS = 2, 16
_NW = _NC * _NS
_NIDX = 128


def _sum11(a):
    return jnp.sum(jnp.sum(a, axis=0, keepdims=True), axis=1, keepdims=True)


def _sc_feature_sums(features, lab3):
    n = features.shape[0]
    chunk = n // _NW
    nstream = chunk // _NIDX
    C = N_CLUSTERS
    mesh = plsc.VectorSubcoreMesh(
        core_axis_name="c", subcore_axis_name="s", num_cores=_NC)

    @functools.partial(
        pl.kernel, mesh=mesh,
        compiler_params=pltpu.CompilerParams(use_tc_tiling_on_sc=False),
        out_type=jax.ShapeDtypeStruct((_NC * C, 16), jnp.float32),
        scratch_types=[
            pltpu.VMEM((chunk, 16), jnp.float32),
            pltpu.VMEM((nstream, _NIDX), jnp.int32),
            pltpu.VMEM((C, 16), jnp.float32),
            pltpu.VMEM_SHARED((C, 16), jnp.float32),
            pltpu.SemaphoreType.DMA,
        ],
    )
    def k(x_hbm, lab_hbm, xpart_hbm, x_v, lab_v, zbuf, accx_sh, sem):
        cidx = lax.axis_index("c")
        sidx = lax.axis_index("s")
        wid = cidx * _NS + sidx
        base = wid * chunk

        pltpu.sync_copy(x_hbm.at[pl.ds(base, chunk)], x_v)
        pltpu.sync_copy(lab_hbm.at[wid], lab_v)

        zero16 = jnp.zeros((16,), jnp.float32)
        for r in range(C):
            zbuf[r, :] = zero16

        @pl.when(sidx == 0)
        def _():
            pltpu.sync_copy(zbuf, accx_sh)

        plsc.subcore_barrier()
        copies = [
            pltpu.async_copy(x_v.at[pl.ds(kk * _NIDX, _NIDX)],
                             accx_sh.at[lab_v.at[kk]], sem, add=True)
            for kk in range(nstream)
        ]
        for cp in copies:
            cp.wait()

        plsc.subcore_barrier()

        @pl.when(sidx == 0)
        def _():
            pltpu.sync_copy(accx_sh, xpart_hbm.at[pl.ds(cidx * C, C)])

    return k(features, lab3)


def _loss_kernel(x_ref, st_ref, lab_ref, xpart_ref,
                 loss_ref, varl_ref, distl_ref, regl_ref, seedl_ref, smoothl_ref,
                 acc_e, cm_s, c2_s, i2v_s, row_bce, row_seed,
                 *, nblocks, n_total):
    phase = pl.program_id(0)
    j = pl.program_id(1)
    C = N_CLUSTERS
    f32 = jnp.float32

    labels = lab_ref[...]
    B = labels.shape[1]
    cid = lax.broadcasted_iota(jnp.int32, (C, B), 0)
    onehot = (cid == labels)

    @pl.when(jnp.logical_and(phase == 0, j == 0))
    def _init():
        acc_e[...] = jnp.zeros_like(acc_e)

    @pl.when(phase == 0)
    def _estats():
        e = jnp.exp(st_ref[1:2, :])
        ones_b = jnp.ones((1, B), dtype=f32)
        e3 = jnp.concatenate([ones_b, e, e * e], axis=0)
        oh = onehot.astype(f32)
        acc_e[...] += lax.dot_general(
            oh, e3, (((1,), (1,)), ((), ())), preferred_element_type=f32)

    @pl.when(jnp.logical_and(phase == 1, j == 0))
    def _finalize_stats():
        cnt = acc_e[:, 0:1]
        sx = xpart_ref[0:C, :] + xpart_ref[C:2 * C, :]
        cm = sx / cnt
        cm_s[...] = cm
        c2_s[...] = jnp.sum(cm * cm, axis=1, keepdims=True)
        var_c = acc_e[:, 1:2] / cnt
        i2v_s[...] = 0.5 / var_c

    @pl.when(phase == 1)
    def _dense():
        x = x_ref[...]
        cm = cm_s[...]
        xc = lax.dot_general(
            cm, x, (((1,), (0,)), ((), ())), preferred_element_type=f32)
        xsq = x * x
        ones_d = jnp.ones((1, x.shape[0]), dtype=f32)
        x2 = lax.dot_general(
            ones_d, xsq, (((1,), (0,)), ((), ())), preferred_element_type=f32)
        d2 = jnp.maximum(x2 - 2.0 * xc + c2_s[...], 0.0)
        t = d2 * i2v_s[...]
        prob = jnp.exp(-t)
        p = jnp.minimum(prob, _PMAX)
        log1mp = jnp.log1p(-p)
        fold8 = (log1mp[0:8, :] + log1mp[8:16, :]
                 + log1mp[16:24, :] + log1mp[24:32, :])
        prob_own = jnp.sum(jnp.where(onehot, prob, 0.0), axis=0, keepdims=True)
        lp_own = jnp.maximum(jnp.log(prob_own), _LOG_LO)
        l1mp_own = jnp.log1p(-jnp.minimum(prob_own, _PMAX))
        keep = j != 0
        row_bce[...] = jnp.where(keep, row_bce[...], 0.0) + fold8
        row_bce[0:1, :] += lp_own - l1mp_own
        dsq = prob_own - st_ref[0:1, :]
        row_seed[...] = jnp.where(keep, row_seed[...], 0.0) + dsq * dsq

    @pl.when(jnp.logical_and(phase == 1, j == nblocks - 1))
    def _combine():
        n = f32(n_total)
        d = x_ref.shape[0]
        cnt = acc_e[:, 0:1]
        cm = cm_s[...]
        c2col = c2_s[...]
        cmsq = cm * cm
        onesd = jnp.ones((1, d), dtype=f32)
        c2row = lax.dot_general(
            onesd, cmsq, (((1,), (1,)), ((), ())), preferred_element_type=f32)
        gram = lax.dot_general(
            cm, cm, (((1,), (1,)), ((), ())), preferred_element_type=f32)
        rr = lax.broadcasted_iota(jnp.int32, (C, C), 0)
        cc = lax.broadcasted_iota(jnp.int32, (C, C), 1)
        eye = (rr == cc).astype(f32)
        dmat = jnp.sqrt(jnp.maximum(c2col + c2row - 2.0 * gram, 0.0) + eye)
        hinge = jnp.maximum(2.0 * DELTA_DIST - dmat, 0.0)
        dist_loss = _sum11(hinge * hinge * (1.0 - eye)) / f32((C - 1) * C)
        reg_loss = _sum11(jnp.sqrt(c2col)) / f32(C)
        var_c = acc_e[:, 1:2] / cnt
        smooth_c = acc_e[:, 2:3] / cnt - var_c * var_c
        smoothness_loss = _sum11(smooth_c) / f32(C)
        var_loss = -_sum11(row_bce[...]) / (n * f32(C))
        seed_loss = _sum11(row_seed[...]) / n
        loss = (W_VAR * var_loss + W_DIST * dist_loss + W_REG * reg_loss
                + W_SMOOTH * smoothness_loss + W_SEED * seed_loss)
        loss_ref[...] = loss
        varl_ref[...] = W_VAR * var_loss
        distl_ref[...] = W_DIST * dist_loss
        regl_ref[...] = W_REG * reg_loss
        seedl_ref[...] = W_SEED * seed_loss
        smoothl_ref[...] = W_SMOOTH * smoothness_loss


@jax.jit
def kernel(features, seediness, group_labels):
    n, d = features.shape
    blk = 16384
    nblocks = n // blk
    C = N_CLUSTERS
    chunk = n // _NW
    nstream = chunk // _NIDX

    lab_i32 = group_labels.astype(jnp.int32)
    lab3 = lab_i32.reshape(_NW, nstream, _NIDX)
    xpart = _sc_feature_sums(features, lab3)

    xt = features.T
    st = seediness.T
    lab = lab_i32.reshape(1, n)

    scalar = jax.ShapeDtypeStruct((1, 1), jnp.float32)
    out = pl.pallas_call(
        functools.partial(_loss_kernel, nblocks=nblocks, n_total=n),
        grid=(2, nblocks),
        in_specs=[
            pl.BlockSpec((d, blk), lambda p, j: (0, j * p)),
            pl.BlockSpec((2, blk), lambda p, j: (0, j)),
            pl.BlockSpec((1, blk), lambda p, j: (0, j)),
            pl.BlockSpec((2 * C, 16), lambda p, j: (0, 0)),
        ],
        out_specs=[pl.BlockSpec((1, 1), lambda p, j: (0, 0))] * 6,
        out_shape=[scalar] * 6,
        scratch_shapes=[
            pltpu.VMEM((C, 3), jnp.float32),
            pltpu.VMEM((C, 16), jnp.float32),
            pltpu.VMEM((C, 1), jnp.float32),
            pltpu.VMEM((C, 1), jnp.float32),
            pltpu.VMEM((8, blk), jnp.float32),
            pltpu.VMEM((1, blk), jnp.float32),
        ],
    )(xt, st, lab, xpart)
    return tuple(o.reshape(()) for o in out)

# --- scband reference (transcript-rebuilt; emitter-appended) ---
"""Pipeline reference for scband-clustering-loss-38319698215236 (READ-ONLY COPY).

The authoritative reference and input builder live on the scoring server;
editing this copy changes nothing except your own understanding.
"""

import jax, jax.numpy as jnp
import numpy as np

N_CLUSTERS = 32
DELTA_DIST = 1.5
W_VAR, W_DIST, W_REG, W_SMOOTH, W_SEED = 3.0, 1.0, 0.001, 5.0, 5.0


def setup_inputs(seed: int = 0) -> dict:
    key = jax.random.key(seed)
    k1, k2, k3 = jax.random.split(key, 3)
    features = jax.random.normal(k1, (65536, 16), dtype=jnp.float32)
    seediness = jax.random.normal(k2, (65536, 2), dtype=jnp.float32)
    group_labels = jax.random.randint(k3, (65536,), 0, N_CLUSTERS)
    return {"features": features, "seediness": seediness, "group_labels": group_labels}


def _forward(features, seediness, group_labels):
    # Equivalent of ClusteringLoss.combine(features, seediness, group_labels)
    onehot = jax.nn.one_hot(group_labels, N_CLUSTERS, dtype=features.dtype)  # (N, C)
    counts = jnp.sum(onehot, axis=0)  # (C,), all clusters present w.h.p.
    # find_cluster_means: per-cluster mean of embeddings (segment mean)
    cmeans = (onehot.T @ features) / counts[:, None]  # (C, d)
    # inter_cluster_loss (p=2 norm, margin=delta_dist)
    eye = jnp.eye(N_CLUSTERS, dtype=features.dtype)
    diff = cmeans[:, None, :] - cmeans[None, :, :]
    dmat = jnp.sqrt(jnp.sum(diff * diff, axis=-1) + eye)  # eye avoids sqrt(0) nan-grad on diag
    hinge = jnp.clip(2.0 * DELTA_DIST - dmat, 0.0, None)
    dist_loss = jnp.sum((hinge ** 2) * (1.0 - eye)) / float((N_CLUSTERS - 1) * N_CLUSTERS)
    # intra_cluster_loss: squared distance of every point to every centroid (N, C)
    d2 = (jnp.sum(features ** 2, axis=1)[:, None]
          - 2.0 * (features @ cmeans.T)
          + jnp.sum(cmeans ** 2, axis=1)[None, :])
    d2 = jnp.maximum(d2, 0.0)
    exp_seed = jnp.exp(seediness[:, 1])  # (N,)
    var_c = jnp.sum(onehot * exp_seed[:, None], axis=0) / counts  # per-cluster mean var_map
    smooth_c = jnp.sum(onehot * (exp_seed[:, None] - var_c[None, :]) ** 2, axis=0) / counts
    smoothness_loss = jnp.mean(smooth_c)
    prob = jnp.exp(-d2 / (2.0 * var_c[None, :]))  # (N, C) gaussian prob map per cluster
    p = jnp.clip(prob, 1e-12, 1.0 - 1e-12)
    # BCE(prob_map, binary_mask) with mean reduction, per cluster, then averaged
    bce_c = -jnp.mean(onehot * jnp.log(p) + (1.0 - onehot) * jnp.log(1.0 - p), axis=0)
    var_loss = jnp.mean(bce_c)
    # seed_truth[labels==c] = dist1.detach()
    seed_truth = jax.lax.stop_gradient(jnp.sum(prob * onehot, axis=1))  # (N,)
    seed_loss = jnp.mean((seed_truth - seediness[:, 0]) ** 2)
    # regularization: mean centroid norm
    reg_loss = jnp.mean(jnp.sqrt(jnp.sum(cmeans ** 2, axis=-1)))
    loss = (W_VAR * var_loss + W_DIST * dist_loss + W_REG * reg_loss
            + W_SMOOTH * smoothness_loss + W_SEED * seed_loss)
    return (loss, W_VAR * var_loss, W_DIST * dist_loss, W_REG * reg_loss,
            W_SEED * seed_loss, W_SMOOTH * smoothness_loss)


def reference(features, seediness, group_labels):
    return _forward(features, seediness, group_labels)

if __name__ == "__main__":
    import jax
    _d = setup_inputs()
    print(jax.jit(kernel)(*tuple(_d.values())))

</pallas_src>

<mosaic_0001>
#map = affine_map<(d0, d1) -> (0, 0)>
#map1 = affine_map<(d0, d1) -> (0, 0, 0)>
module attributes {stable_mosaic.version = 14 : i64} {
  func.func @k(%arg0: i32, %arg1: i32, %arg2: memref<65536x16xf32, #tpu.memory_space<hbm>>, %arg3: memref<32x16x128xi32, #tpu.memory_space<hbm>>, %arg4: memref<64x16xf32, #tpu.memory_space<hbm>>, %arg5: memref<2048x16xf32, #tpu.memory_space<vmem>>, %arg6: memref<16x128xi32, #tpu.memory_space<vmem>>, %arg7: memref<32x16xf32, #tpu.memory_space<vmem>>, %arg8: memref<32x16xf32, #tpu.memory_space<vmem_shared>>, %arg9: memref<!tpu.dma_semaphore, #tpu.memory_space<semaphore_mem>>) attributes {dimension_semantics = [#tpu.dimension_semantics<core_parallel>, #tpu.dimension_semantics<subcore_parallel>], iteration_bounds = array<i64: 2, 16>, scalar_prefetch = 0 : i64, scratch_operands = 5 : i64, tpu.core_type = #tpu.core_type<sc_vector_subcore>, window_params = [{transform_indices = #map}, {transform_indices = #map1}, {transform_indices = #map}]} {
    %mul3A = arith.constant 16 : i32
    %mul3A_0 = arith.muli %arg0, %mul3A : i32
    %add3A = arith.addi %mul3A_0, %arg1 : i32
    %mul3A_1 = arith.constant 2048 : i32
    %mul3A_2 = arith.muli %add3A, %mul3A_1 : i32
    "tpu.region"() ({
      %run_scoped3A = tpu.sem_alloc : memref<!tpu.dma_semaphore, #tpu.memory_space<semaphore_mem>>
      %dma_start3A_521 = arith.constant 0 : i32
      %dma_start3A_522 = tpu.memref_slice %arg2[%mul3A_2, %dma_start3A_521] : memref<65536x16xf32, #tpu.memory_space<hbm>> -> memref<2048x16xf32, #tpu.memory_space<hbm>>
      %dma_start3A_523 = arith.constant 0 : i32
      %dma_start3A_524 = tpu.memref_slice %arg2[%mul3A_2, %dma_start3A_523] : memref<65536x16xf32, #tpu.memory_space<hbm>> -> memref<2048x16xf32, #tpu.memory_space<hbm>>
      tpu.enqueue_dma source(%dma_start3A_524 : memref<2048x16xf32, #tpu.memory_space<hbm>>) target(%arg5 : memref<2048x16xf32, #tpu.memory_space<vmem>>) target_semaphore(%run_scoped3A : memref<!tpu.dma_semaphore, #tpu.memory_space<semaphore_mem>>)
      %dma_wait3A_525 = arith.constant 0 : i32
      %dma_wait3A_526 = tpu.memref_slice %arg2[%mul3A_2, %dma_wait3A_525] : memref<65536x16xf32, #tpu.memory_space<hbm>> -> memref<2048x16xf32, #tpu.memory_space<hbm>>
      %dma_wait3A_527 = arith.constant 0 : i32
      %dma_wait3A_528 = tpu.memref_slice %arg2[%mul3A_2, %dma_wait3A_527] : memref<65536x16xf32, #tpu.memory_space<hbm>> -> memref<2048x16xf32, #tpu.memory_space<hbm>>
      tpu.wait_dma2 semaphore(%run_scoped3A : memref<!tpu.dma_semaphore, #tpu.memory_space<semaphore_mem>>) src(%dma_wait3A_528 : memref<2048x16xf32, #tpu.memory_space<hbm>>) dst(%arg5 : memref<2048x16xf32, #tpu.memory_space<vmem>>)
      tpu.yield
    }) : () -> ()
    "tpu.region"() ({
      %run_scoped3A = tpu.sem_alloc : memref<!tpu.dma_semaphore, #tpu.memory_space<semaphore_mem>>
      %dma_start3A_521 = arith.constant 0 : i32
      %dma_start3A_522 = arith.constant 0 : i32
      %dma_start3A_523 = tpu.memref_slice %arg3[%add3A, %dma_start3A_521, %dma_start3A_522] : memref<32x16x128xi32, #tpu.memory_space<hbm>> -> memref<1x16x128xi32, #tpu.memory_space<hbm>>
      %dma_start3A_524 = tpu.memref_squeeze %dma_start3A_523 : memref<1x16x128xi32, #tpu.memory_space<hbm>> -> memref<16x128xi32, #tpu.memory_space<hbm>>
      %dma_start3A_525 = arith.constant 0 : i32
      %dma_start3A_526 = arith.constant 0 : i32
      %dma_start3A_527 = tpu.memref_slice %arg3[%add3A, %dma_start3A_525, %dma_start3A_526] : memref<32x16x128xi32, #tpu.memory_space<hbm>> -> memref<1x16x128xi32, #tpu.memory_space<hbm>>
      %dma_start3A_528 = tpu.memref_squeeze %dma_start3A_527 : memref<1x16x128xi32, #tpu.memory_space<hbm>> -> memref<16x128xi32, #tpu.memory_space<hbm>>
      tpu.enqueue_dma source(%dma_start3A_528 : memref<16x128xi32, #tpu.memory_space<hbm>>) target(%arg6 : memref<16x128xi32, #tpu.memory_space<vmem>>) target_semaphore(%run_scoped3A : memref<!tpu.dma_semaphore, #tpu.memory_space<semaphore_mem>>)
      %dma_wait3A_529 = arith.constant 0 : i32
      %dma_wait3A_530 = arith.constant 0 : i32
      %dma_wait3A_531 = tpu.memref_slice %arg3[%add3A, %dma_wait3A_529, %dma_wait3A_530] : memref<32x16x128xi32, #tpu.memory_space<hbm>> -> memref<1x16x128xi32, #tpu.memory_space<hbm>>
      %dma_wait3A_532 = tpu.memref_squeeze %dma_wait3A_531 : memref<1x16x128xi32, #tpu.memory_space<hbm>> -> memref<16x128xi32, #tpu.memory_space<hbm>>
      %dma_wait3A_533 = arith.constant 0 : i32
      %dma_wait3A_534 = arith.constant 0 : i32
      %dma_wait3A_535 = tpu.memref_slice %arg3[%add3A, %dma_wait3A_533, %dma_wait3A_534] : memref<32x16x128xi32, #tpu.memory_space<hbm>> -> memref<1x16x128xi32, #tpu.memory_space<hbm>>
      %dma_wait3A_536 = tpu.memref_squeeze %dma_wait3A_535 : memref<1x16x128xi32, #tpu.memory_space<hbm>> -> memref<16x128xi32, #tpu.memory_space<hbm>>
      tpu.wait_dma2 semaphore(%run_scoped3A : memref<!tpu.dma_semaphore, #tpu.memory_space<semaphore_mem>>) src(%dma_wait3A_536 : memref<16x128xi32, #tpu.memory_space<hbm>>) dst(%arg6 : memref<16x128xi32, #tpu.memory_space<vmem>>)
      tpu.yield
    }) : () -> ()
    %broadcast_in_dim3A = arith.constant 0.000000e+00 : f32
    %broadcast_in_dim3A_3 = vector.broadcast %broadcast_in_dim3A : f32 to vector<16xf32>
    %swap3A = arith.constant 0 : i32
    %swap3A_4 = arith.index_cast %swap3A : i32 to index
    %swap3A_5 = arith.constant 0 : index
    %swap3A_6 = tpu.vector_load %arg7[%swap3A_4, %swap3A_5] {strides = array<i32>} : memref<32x16xf32, #tpu.memory_space<vmem>>, vector<1x16xf32>,
    %swap3A_7 = vector.shape_cast %swap3A_6 : vector<1x16xf32> to vector<16xf32>
    %swap3A_8 = vector.shape_cast %broadcast_in_dim3A_3 : vector<16xf32> to vector<1x16xf32>
    tpu.vector_store %arg7[%swap3A_4, %swap3A_5], %swap3A_8 {strides = array<i32>} : memref<32x16xf32, #tpu.memory_space<vmem>>, vector<1x16xf32>,
    %swap3A_9 = arith.constant 1 : i32
    %swap3A_10 = arith.index_cast %swap3A_9 : i32 to index
    %swap3A_11 = arith.constant 0 : index
    %swap3A_12 = tpu.vector_load %arg7[%swap3A_10, %swap3A_11] {strides = array<i32>} : memref<32x16xf32, #tpu.memory_space<vmem>>, vector<1x16xf32>,
    %swap3A_13 = vector.shape_cast %swap3A_12 : vector<1x16xf32> to vector<16xf32>
    %swap3A_14 = vector.shape_cast %broadcast_in_dim3A_3 : vector<16xf32> to vector<1x16xf32>
    tpu.vector_store %arg7[%swap3A_10, %swap3A_11], %swap3A_14 {strides = array<i32>} : memref<32x16xf32, #tpu.memory_space<vmem>>, vector<1x16xf32>,
    %swap3A_15 = arith.constant 2 : i32
    %swap3A_16 = arith.index_cast %swap3A_15 : i32 to index
    %swap3A_17 = arith.constant 0 : index
    %swap3A_18 = tpu.vector_load %arg7[%swap3A_16, %swap3A_17] {strides = array<i32>} : memref<32x16xf32, #tpu.memory_space<vmem>>, vector<1x16xf32>,
    %swap3A_19 = vector.shape_cast %swap3A_18 : vector<1x16xf32> to vector<16xf32>
    %swap3A_20 = vector.shape_cast %broadcast_in_dim3A_3 : vector<16xf32> to vector<1x16xf32>
    tpu.vector_store %arg7[%swap3A_16, %swap3A_17], %swap3A_20 {strides = array<i32>} : memref<32x16xf32, #tpu.memory_space<vmem>>, vector<1x16xf32>,
    %swap3A_21 = arith.constant 3 : i32
    %swap3A_22 = arith.index_cast %swap3A_21 : i32 to index
    %swap3A_23 = arith.constant 0 : index
    %swap3A_24 = tpu.vector_load %arg7[%swap3A_22, %swap3A_23] {strides = array<i32>} : memref<32x16xf32, #tpu.memory_space<vmem>>, vector<1x16xf32>,
    %swap3A_25 = vector.shape_cast %swap3A_24 : vector<1x16xf32> to vector<16xf32>
    %swap3A_26 = vector.shape_cast %broadcast_in_dim3A_3 : vector<16xf32> to vector<1x16xf32>
    tpu.vector_store %arg7[%swap3A_22, %swap3A_23], %swap3A_26 {strides = array<i32>} : memref<32x16xf32, #tpu.memory_space<vmem>>, vector<1x16xf32>,
    %swap3A_27 = arith.constant 4 : i32
    %swap3A_28 = arith.index_cast %swap3A_27 : i32 to index
    %swap3A_29 = arith.constant 0 : index
    %swap3A_30 = tpu.vector_load %arg7[%swap3A_28, %swap3A_29] {strides = array<i32>} : memref<32x16xf32, #tpu.memory_space<vmem>>, vector<1x16xf32>,
    %swap3A_31 = vector.shape_cast %swap3A_30 : vector<1x16xf32> to vector<16xf32>
    %swap3A_32 = vector.shape_cast %broadcast_in_dim3A_3 : vector<16xf32> to vector<1x16xf32>
    tpu.vector_store %arg7[%swap3A_28, %swap3A_29], %swap3A_32 {strides = array<i32>} : memref<32x16xf32, #tpu.memory_space<vmem>>, vector<1x16xf32>,
    %swap3A_33 = arith.constant 5 : i32
    %swap3A_34 = arith.index_cast %swap3A_33 : i32 to index
    %swap3A_35 = arith.constant 0 : index
    %swap3A_36 = tpu.vector_load %arg7[%swap3A_34, %swap3A_35] {strides = array<i32>} : memref<32x16xf32, #tpu.memory_space<vmem>>, vector<1x16xf32>,
    %swap3A_37 = vector.shape_cast %swap3A_36 : vector<1x16xf32> to vector<16xf32>
    %swap3A_38 = vector.shape_cast %broadcast_in_dim3A_3 : vector<16xf32> to vector<1x16xf32>
    tpu.vector_store %arg7[%swap3A_34, %swap3A_35], %swap3A_38 {strides = array<i32>} : memref<32x16xf32, #tpu.memory_space<vmem>>, vector<1x16xf32>,
    %swap3A_39 = arith.constant 6 : i32
    %swap3A_40 = arith.index_cast %swap3A_39 : i32 to index
    %swap3A_41 = arith.constant 0 : index
    %swap3A_42 = tpu.vector_load %arg7[%swap3A_40, %swap3A_41] {strides = array<i32>} : memref<32x16xf32, #tpu.memory_space<vmem>>, vector<1x16xf32>,
    %swap3A_43 = vector.shape_cast %swap3A_42 : vector<1x16xf32> to vector<16xf32>
    %swap3A_44 = vector.shape_cast %broadcast_in_dim3A_3 : vector<16xf32> to vector<1x16xf32>
    tpu.vector_store %arg7[%swap3A_40, %swap3A_41], %swap3A_44 {strides = array<i32>} : memref<32x16xf32, #tpu.memory_space<vmem>>, vector<1x16xf32>,
    %swap3A_45 = arith.constant 7 : i32
    %swap3A_46 = arith.index_cast %swap3A_45 : i32 to index
    %swap3A_47 = arith.constant 0 : index
    %swap3A_48 = tpu.vector_load %arg7[%swap3A_46, %swap3A_47] {strides = array<i32>} : memref<32x16xf32, #tpu.memory_space<vmem>>, vector<1x16xf32>,
    %swap3A_49 = vector.shape_cast %swap3A_48 : vector<1x16xf32> to vector<16xf32>
    %swap3A_50 = vector.shape_cast %broadcast_in_dim3A_3 : vector<16xf32> to vector<1x16xf32>
    tpu.vector_store %arg7[%swap3A_46, %swap3A_47], %swap3A_50 {strides = array<i32>} : memref<32x16xf32, #tpu.memory_space<vmem>>, vector<1x16xf32>,
    %swap3A_51 = arith.constant 8 : i32
    %swap3A_52 = arith.index_cast %swap3A_51 : i32 to index
    %swap3A_53 = arith.constant 0 : index
    %swap3A_54 = tpu.vector_load %arg7[%swap3A_52, %swap3A_53] {strides = array<i32>} : memref<32x16xf32, #tpu.memory_space<vmem>>, vector<1x16xf32>,
    %swap3A_55 = vector.shape_cast %swap3A_54 : vector<1x16xf32> to vector<16xf32>
    %swap3A_56 = vector.shape_cast %broadcast_in_dim3A_3 : vector<16xf32> to vector<1x16xf32>
    tpu.vector_store %arg7[%swap3A_52, %swap3A_53], %swap3A_56 {strides = array<i32>} : memref<32x16xf32, #tpu.memory_space<vmem>>, vector<1x16xf32>,
    %swap3A_57 = arith.constant 9 : i32
    %swap3A_58 = arith.index_cast %swap3A_57 : i32 to index
    %swap3A_59 = arith.constant 0 : index
    %swap3A_60 = tpu.vector_load %arg7[%swap3A_58, %swap3A_59] {strides = array<i32>} : memref<32x16xf32, #tpu.memory_space<vmem>>, vector<1x16xf32>,
    %swap3A_61 = vector.shape_cast %swap3A_60 : vector<1x16xf32> to vector<16xf32>
    %swap3A_62 = vector.shape_cast %broadcast_in_dim3A_3 : vector<16xf32> to vector<1x16xf32>
    tpu.vector_store %arg7[%swap3A_58, %swap3A_59], %swap3A_62 {strides = array<i32>} : memref<32x16xf32, #tpu.memory_space<vmem>>, vector<1x16xf32>,
    %swap3A_63 = arith.constant 10 : i32
    %swap3A_64 = arith.index_cast %swap3A_63 : i32 to index
    %swap3A_65 = arith.constant 0 : index
    %swap3A_66 = tpu.vector_load %arg7[%swap3A_64, %swap3A_65] {strides = array<i32>} : memref<32x16xf32, #tpu.memory_space<vmem>>, vector<1x16xf32>,
    %swap3A_67 = vector.shape_cast %swap3A_66 : vector<1x16xf32> to vector<16xf32>
    %swap3A_68 = vector.shape_cast %broadcast_in_dim3A_3 : vector<16xf32> to vector<1x16xf32>
    tpu.vector_store %arg7[%swap3A_64, %swap3A_65], %swap3A_68 {strides = array<i32>} : memref<32x16xf32, #tpu.memory_space<vmem>>, vector<1x16xf32>,
    %swap3A_69 = arith.constant 11 : i32
    %swap3A_70 = arith.index_cast %swap3A_69 : i32 to index
    %swap3A_71 = arith.constant 0 : index
    %swap3A_72 = tpu.vector_load %arg7[%swap3A_70, %swap3A_71] {strides = array<i32>} : memref<32x16xf32, #tpu.memory_space<vmem>>, vector<1x16xf32>,
    %swap3A_73 = vector.shape_cast %swap3A_72 : vector<1x16xf32> to vector<16xf32>
    %swap3A_74 = vector.shape_cast %broadcast_in_dim3A_3 : vector<16xf32> to vector<1x16xf32>
    tpu.vector_store %arg7[%swap3A_70, %swap3A_71], %swap3A_74 {strides = array<i32>} : memref<32x16xf32, #tpu.memory_space<vmem>>, vector<1x16xf32>,
    %swap3A_75 = arith.constant 12 : i32
    %swap3A_76 = arith.index_cast %swap3A_75 : i32 to index
    %swap3A_77 = arith.constant 0 : index
    %swap3A_78 = tpu.vector_load %arg7[%swap3A_76, %swap3A_77] {strides = array<i32>} : memref<32x16xf32, #tpu.memory_space<vmem>>, vector<1x16xf32>,
    %swap3A_79 = vector.shape_cast %swap3A_78 : vector<1x16xf32> to vector<16xf32>
    %swap3A_80 = vector.shape_cast %broadcast_in_dim3A_3 : vector<16xf32> to vector<1x16xf32>
    tpu.vector_store %arg7[%swap3A_76, %swap3A_77], %swap3A_80 {strides = array<i32>} : memref<32x16xf32, #tpu.memory_space<vmem>>, vector<1x16xf32>,
    %swap3A_81 = arith.constant 13 : i32
    %swap3A_82 = arith.index_cast %swap3A_81 : i32 to index
    %swap3A_83 = arith.constant 0 : index
    %swap3A_84 = tpu.vector_load %arg7[%swap3A_82, %swap3A_83] {strides = array<i32>} : memref<32x16xf32, #tpu.memory_space<vmem>>, vector<1x16xf32>,
    %swap3A_85 = vector.shape_cast %swap3A_84 : vector<1x16xf32> to vector<16xf32>
    %swap3A_86 = vector.shape_cast %broadcast_in_dim3A_3 : vector<16xf32> to vector<1x16xf32>
    tpu.vector_store %arg7[%swap3A_82, %swap3A_83], %swap3A_86 {strides = array<i32>} : memref<32x16xf32, #tpu.memory_space<vmem>>, vector<1x16xf32>,
    %swap3A_87 = arith.constant 14 : i32
    %swap3A_88 = arith.index_cast %swap3A_87 : i32 to index
    %swap3A_89 = arith.constant 0 : index
    %swap3A_90 = tpu.vector_load %arg7[%swap3A_88, %swap3A_89] {strides = array<i32>} : memref<32x16xf32, #tpu.memory_space<vmem>>, vector<1x16xf32>,
    %swap3A_91 = vector.shape_cast %swap3A_90 : vector<1x16xf32> to vector<16xf32>
    %swap3A_92 = vector.shape_cast %broadcast_in_dim3A_3 : vector<16xf32> to vector<1x16xf32>
    tpu.vector_store %arg7[%swap3A_88, %swap3A_89], %swap3A_92 {strides = array<i32>} : memref<32x16xf32, #tpu.memory_space<vmem>>, vector<1x16xf32>,
    %swap3A_93 = arith.constant 15 : i32
    %swap3A_94 = arith.index_cast %swap3A_93 : i32 to index
    %swap3A_95 = arith.constant 0 : index
    %swap3A_96 = tpu.vector_load %arg7[%swap3A_94, %swap3A_95] {strides = array<i32>} : memref<32x16xf32, #tpu.memory_space<vmem>>, vector<1x16xf32>,
    %swap3A_97 = vector.shape_cast %swap3A_96 : vector<1x16xf32> to vector<16xf32>
    %swap3A_98 = vector.shape_cast %broadcast_in_dim3A_3 : vector<16xf32> to vector<1x16xf32>
    tpu.vector_store %arg7[%swap3A_94, %swap3A_95], %swap3A_98 {strides = array<i32>} : memref<32x16xf32, #tpu.memory_space<vmem>>, vector<1x16xf32>,
    %swap3A_99 = arith.constant 16 : i32
    %swap3A_100 = arith.index_cast %swap3A_99 : i32 to index
    %swap3A_101 = arith.constant 0 : index
    %swap3A_102 = tpu.vector_load %arg7[%swap3A_100, %swap3A_101] {strides = array<i32>} : memref<32x16xf32, #tpu.memory_space<vmem>>, vector<1x16xf32>,
    %swap3A_103 = vector.shape_cast %swap3A_102 : vector<1x16xf32> to vector<16xf32>
    %swap3A_104 = vector.shape_cast %broadcast_in_dim3A_3 : vector<16xf32> to vector<1x16xf32>
    tpu.vector_store %arg7[%swap3A_100, %swap3A_101], %swap3A_104 {strides = array<i32>} : memref<32x16xf32, #tpu.memory_space<vmem>>, vector<1x16xf32>,
    %swap3A_105 = arith.constant 17 : i32
    %swap3A_106 = arith.index_cast %swap3A_105 : i32 to index
    %swap3A_107 = arith.constant 0 : index
    %swap3A_108 = tpu.vector_load %arg7[%swap3A_106, %swap3A_107] {strides = array<i32>} : memref<32x16xf32, #tpu.memory_space<vmem>>, vector<1x16xf32>,
    %swap3A_109 = vector.shape_cast %swap3A_108 : vector<1x16xf32> to vector<16xf32>
    %swap3A_110 = vector.shape_cast %broadcast_in_dim3A_3 : vector<16xf32> to vector<1x16xf32>
    tpu.vector_store %arg7[%swap3A_106, %swap3A_107], %swap3A_110 {strides = array<i32>} : memref<32x16xf32, #tpu.memory_space<vmem>>, vector<1x16xf32>,
    %swap3A_111 = arith.constant 18 : i32
    %swap3A_112 = arith.index_cast %swap3A_111 : i32 to index
    %swap3A_113 = arith.constant 0 : index
    %swap3A_114 = tpu.vector_load %arg7[%swap3A_112, %swap3A_113] {strides = array<i32>} : memref<32x16xf32, #tpu.memory_space<vmem>>, vector<1x16xf32>,
    %swap3A_115 = vector.shape_cast %swap3A_114 : vector<1x16xf32> to vector<16xf32>
    %swap3A_116 = vector.shape_cast %broadcast_in_dim3A_3 : vector<16xf32> to vector<1x16xf32>
    tpu.vector_store %arg7[%swap3A_112, %swap3A_113], %swap3A_116 {strides = array<i32>} : memref<32x16xf32, #tpu.memory_space<vmem>>, vector<1x16xf32>,
    %swap3A_117 = arith.constant 19 : i32
    %swap3A_118 = arith.index_cast %swap3A_117 : i32 to index
    %swap3A_119 = arith.constant 0 : index
    %swap3A_120 = tpu.vector_load %arg7[%swap3A_118, %swap3A_119] {strides = array<i32>} : memref<32x16xf32, #tpu.memory_space<vmem>>, vector<1x16xf32>,
    %swap3A_121 = vector.shape_cast %swap3A_120 : vector<1x16xf32> to vector<16xf32>
    %swap3A_122 = vector.shape_cast %broadcast_in_dim3A_3 : vector<16xf32> to vector<1x16xf32>
    tpu.vector_store %arg7[%swap3A_118, %swap3A_119], %swap3A_122 {strides = array<i32>} : memref<32x16xf32, #tpu.memory_space<vmem>>, vector<1x16xf32>,
    %swap3A_123 = arith.constant 20 : i32
    %swap3A_124 = arith.index_cast %swap3A_123 : i32 to index
    %swap3A_125 = arith.constant 0 : index
    %swap3A_126 = tpu.vector_load %arg7[%swap3A_124, %swap3A_125] {strides = array<i32>} : memref<32x16xf32, #tpu.memory_space<vmem>>, vector<1x16xf32>,
    %swap3A_127 = vector.shape_cast %swap3A_126 : vector<1x16xf32> to vector<16xf32>
    %swap3A_128 = vector.shape_cast %broadcast_in_dim3A_3 : vector<16xf32> to vector<1x16xf32>
    tpu.vector_store %arg7[%swap3A_124, %swap3A_125], %swap3A_128 {strides = array<i32>} : memref<32x16xf32, #tpu.memory_space<vmem>>, vector<1x16xf32>,
    %swap3A_129 = arith.constant 21 : i32
    %swap3A_130 = arith.index_cast %swap3A_129 : i32 to index
    %swap3A_131 = arith.constant 0 : index
    %swap3A_132 = tpu.vector_load %arg7[%swap3A_130, %swap3A_131] {strides = array<i32>} : memref<32x16xf32, #tpu.memory_space<vmem>>, vector<1x16xf32>,
    %swap3A_133 = vector.shape_cast %swap3A_132 : vector<1x16xf32> to vector<16xf32>
    %swap3A_134 = vector.shape_cast %broadcast_in_dim3A_3 : vector<16xf32> to vector<1x16xf32>
    tpu.vector_store %arg7[%swap3A_130, %swap3A_131], %swap3A_134 {strides = array<i32>} : memref<32x16xf32, #tpu.memory_space<vmem>>, vector<1x16xf32>,
    %swap3A_135 = arith.constant 22 : i32
    %swap3A_136 = arith.index_cast %swap3A_135 : i32 to index
    %swap3A_137 = arith.constant 0 : index
    %swap3A_138 = tpu.vector_load %arg7[%swap3A_136, %swap3A_137] {strides = array<i32>} : memref<32x16xf32, #tpu.memory_space<vmem>>, vector<1x16xf32>,
    %swap3A_139 = vector.shape_cast %swap3A_138 : vector<1x16xf32> to vector<16xf32>
    %swap3A_140 = vector.shape_cast %broadcast_in_dim3A_3 : vector<16xf32> to vector<1x16xf32>
    tpu.vector_store %arg7[%swap3A_136, %swap3A_137], %swap3A_140 {strides = array<i32>} : memref<32x16xf32, #tpu.memory_space<vmem>>, vector<1x16xf32>,
    %swap3A_141 = arith.constant 23 : i32
    %swap3A_142 = arith.index_cast %swap3A_141 : i32 to index
    %swap3A_143 = arith.constant 0 : index
    %swap3A_144 = tpu.vector_load %arg7[%swap3A_142, %swap3A_143] {strides = array<i32>} : memref<32x16xf32, #tpu.memory_space<vmem>>, vector<1x16xf32>,
    %swap3A_145 = vector.shape_cast %swap3A_144 : vector<1x16xf32> to vector<16xf32>
    %swap3A_146 = vector.shape_cast %broadcast_in_dim3A_3 : vector<16xf32> to vector<1x16xf32>
    tpu.vector_store %arg7[%swap3A_142, %swap3A_143], %swap3A_146 {strides = array<i32>} : memref<32x16xf32, #tpu.memory_space<vmem>>, vector<1x16xf32>,
    %swap3A_147 = arith.constant 24 : i32
    %swap3A_148 = arith.index_cast %swap3A_147 : i32 to index
    %swap3A_149 = arith.constant 0 : index
    %swap3A_150 = tpu.vector_load %arg7[%swap3A_148, %swap3A_149] {strides = array<i32>} : memref<32x16xf32, #tpu.memory_space<vmem>>, vector<1x16xf32>,
    %swap3A_151 = vector.shape_cast %swap3A_150 : vector<1x16xf32> to vector<16xf32>
    %swap3A_152 = vector.shape_cast %broadcast_in_dim3A_3 : vector<16xf32> to vector<1x16xf32>
    tpu.vector_store %arg7[%swap3A_148, %swap3A_149], %swap3A_152 {strides = array<i32>} : memref<32x16xf32, #tpu.memory_space<vmem>>, vector<1x16xf32>,
    %swap3A_153 = arith.constant 25 : i32
    %swap3A_154 = arith.index_cast %swap3A_153 : i32 to index
    %swap3A_155 = arith.constant 0 : index
    %swap3A_156 = tpu.vector_load %arg7[%swap3A_154, %swap3A_155] {strides = array<i32>} : memref<32x16xf32, #tpu.memory_space<vmem>>, vector<1x16xf32>,
    %swap3A_157 = vector.shape_cast %swap3A_156 : vector<1x16xf32> to vector<16xf32>
    %swap3A_158 = vector.shape_cast %broadcast_in_dim3A_3 : vector<16xf32> to vector<1x16xf32>
    tpu.vector_store %arg7[%swap3A_154, %swap3A_155], %swap3A_158 {strides = array<i32>} : memref<32x16xf32, #tpu.memory_space<vmem>>, vector<1x16xf32>,
    %swap3A_159 = arith.constant 26 : i32
    %swap3A_160 = arith.index_cast %swap3A_159 : i32 to index
    %swap3A_161 = arith.constant 0 : index
    %swap3A_162 = tpu.vector_load %arg7[%swap3A_160, %swap3A_161] {strides = array<i32>} : memref<32x16xf32, #tpu.memory_space<vmem>>, vector<1x16xf32>,
    %swap3A_163 = vector.shape_cast %swap3A_162 : vector<1x16xf32> to vector<16xf32>
    %swap3A_164 = vector.shape_cast %broadcast_in_dim3A_3 : vector<16xf32> to vector<1x16xf32>
    tpu.vector_store %arg7[%swap3A_160, %swap3A_161], %swap3A_164 {strides = array<i32>} : memref<32x16xf32, #tpu.memory_space<vmem>>, vector<1x16xf32>,
    %swap3A_165 = arith.constant 27 : i32
    %swap3A_166 = arith.index_cast %swap3A_165 : i32 to index
    %swap3A_167 = arith.constant 0 : index
    %swap3A_168 = tpu.vector_load %arg7[%swap3A_166, %swap3A_167] {strides = array<i32>} : memref<32x16xf32, #tpu.memory_space<vmem>>, vector<1x16xf32>,
    %swap3A_169 = vector.shape_cast %swap3A_168 : vector<1x16xf32> to vector<16xf32>
    %swap3A_170 = vector.shape_cast %broadcast_in_dim3A_3 : vector<16xf32> to vector<1x16xf32>
    tpu.vector_store %arg7[%swap3A_166, %swap3A_167], %swap3A_170 {strides = array<i32>} : memref<32x16xf32, #tpu.memory_space<vmem>>, vector<1x16xf32>,
    %swap3A_171 = arith.constant 28 : i32
    %swap3A_172 = arith.index_cast %swap3A_171 : i32 to index
    %swap3A_173 = arith.constant 0 : index
    %swap3A_174 = tpu.vector_load %arg7[%swap3A_172, %swap3A_173] {strides = array<i32>} : memref<32x16xf32, #tpu.memory_space<vmem>>, vector<1x16xf32>,
    %swap3A_175 = vector.shape_cast %swap3A_174 : vector<1x16xf32> to vector<16xf32>
    %swap3A_176 = vector.shape_cast %broadcast_in_dim3A_3 : vector<16xf32> to vector<1x16xf32>
    tpu.vector_store %arg7[%swap3A_172, %swap3A_173], %swap3A_176 {strides = array<i32>} : memref<32x16xf32, #tpu.memory_space<vmem>>, vector<1x16xf32>,
    %swap3A_177 = arith.constant 29 : i32
    %swap3A_178 = arith.index_cast %swap3A_177 : i32 to index
    %swap3A_179 = arith.constant 0 : index
    %swap3A_180 = tpu.vector_load %arg7[%swap3A_178, %swap3A_179] {strides = array<i32>} : memref<32x16xf32, #tpu.memory_space<vmem>>, vector<1x16xf32>,
    %swap3A_181 = vector.shape_cast %swap3A_180 : vector<1x16xf32> to vector<16xf32>
    %swap3A_182 = vector.shape_cast %broadcast_in_dim3A_3 : vector<16xf32> to vector<1x16xf32>
    tpu.vector_store %arg7[%swap3A_178, %swap3A_179], %swap3A_182 {strides = array<i32>} : memref<32x16xf32, #tpu.memory_space<vmem>>, vector<1x16xf32>,
    %swap3A_183 = arith.constant 30 : i32
    %swap3A_184 = arith.index_cast %swap3A_183 : i32 to index
    %swap3A_185 = arith.constant 0 : index
    %swap3A_186 = tpu.vector_load %arg7[%swap3A_184, %swap3A_185] {strides = array<i32>} : memref<32x16xf32, #tpu.memory_space<vmem>>, vector<1x16xf32>,
    %swap3A_187 = vector.shape_cast %swap3A_186 : vector<1x16xf32> to vector<16xf32>
    %swap3A_188 = vector.shape_cast %broadcast_in_dim3A_3 : vector<16xf32> to vector<1x16xf32>
    tpu.vector_store %arg7[%swap3A_184, %swap3A_185], %swap3A_188 {strides = array<i32>} : memref<32x16xf32, #tpu.memory_space<vmem>>, vector<1x16xf32>,
    %swap3A_189 = arith.constant 31 : i32
    %swap3A_190 = arith.index_cast %swap3A_189 : i32 to index
    %swap3A_191 = arith.constant 0 : index
    %swap3A_192 = tpu.vector_load %arg7[%swap3A_190, %swap3A_191] {strides = array<i32>} : memref<32x16xf32, #tpu.memory_space<vmem>>, vector<1x16xf32>,
    %swap3A_193 = vector.shape_cast %swap3A_192 : vector<1x16xf32> to vector<16xf32>
    %swap3A_194 = vector.shape_cast %broadcast_in_dim3A_3 : vector<16xf32> to vector<1x16xf32>
    tpu.vector_store %arg7[%swap3A_190, %swap3A_191], %swap3A_194 {strides = array<i32>} : memref<32x16xf32, #tpu.memory_space<vmem>>, vector<1x16xf32>,
    %eq3A = arith.constant 0 : i32
    %eq3A_195 = arith.cmpi eq, %arg1, %eq3A : i32
    %convert_element_type3A = arith.extui %eq3A_195 : i1 to i32
    %cond3A = arith.constant 0 : i32
    %cond3A_196 = arith.cmpi ne, %convert_element_type3A, %cond3A : i32
    scf.if %cond3A_196 {
      "tpu.region"() ({
        %run_scoped3A = tpu.sem_alloc : memref<!tpu.dma_semaphore, #tpu.memory_space<semaphore_mem>>
        tpu.enqueue_dma source(%arg7 : memref<32x16xf32, #tpu.memory_space<vmem>>) target(%arg8 : memref<32x16xf32, #tpu.memory_space<vmem_shared>>) target_semaphore(%run_scoped3A : memref<!tpu.dma_semaphore, #tpu.memory_space<semaphore_mem>>)
        tpu.wait_dma2 semaphore(%run_scoped3A : memref<!tpu.dma_semaphore, #tpu.memory_space<semaphore_mem>>) src(%arg7 : memref<32x16xf32, #tpu.memory_space<vmem>>) dst(%arg8 : memref<32x16xf32, #tpu.memory_space<vmem_shared>>)
        tpu.yield
      }) : () -> ()
    } else {
    }
    %barrier3A = arith.constant 0 : index
    tpu.barrier barrier_id(%barrier3A)
    %dma_start3A = arith.constant 0 : i32
    %dma_start3A_197 = arith.constant 0 : i32
    %dma_start3A_198 = arith.constant 0 : i32
    %dma_start3A_199 = tpu.memref_slice %arg5[%dma_start3A_197, %dma_start3A_198] : memref<2048x16xf32, #tpu.memory_space<vmem>> -> memref<128x16xf32, #tpu.memory_space<vmem>>
    %dma_start3A_200 = arith.constant 0 : i32
    %dma_start3A_201 = tpu.memref_slice %arg6[%dma_start3A, %dma_start3A_200] : memref<16x128xi32, #tpu.memory_space<vmem>> -> memref<1x128xi32, #tpu.memory_space<vmem>>
    %dma_start3A_202 = tpu.memref_squeeze %dma_start3A_201 : memref<1x128xi32, #tpu.memory_space<vmem>> -> memref<128xi32, #tpu.memory_space<vmem>>
    %dma_start3A_203 = arith.constant 0 : i32
    %dma_start3A_204 = arith.constant 0 : i32
    %dma_start3A_205 = tpu.memref_slice %arg8[%dma_start3A_203, %dma_start3A_204] : memref<32x16xf32, #tpu.memory_space<vmem_shared>> -> memref<32x16xf32, #tpu.memory_space<vmem_shared>>
    tpu.enqueue_indirect_dma source(%dma_start3A_199 : memref<128x16xf32, #tpu.memory_space<vmem>>) target(%dma_start3A_205 : memref<32x16xf32, #tpu.memory_space<vmem_shared>>) offsets(%dma_start3A_202 : memref<128xi32, #tpu.memory_space<vmem>>) semaphore(%arg9 : memref<!tpu.dma_semaphore, #tpu.memory_space<semaphore_mem>>) {add = true}
    %dma_start3A_206 = arith.constant 1 : i32
    %dma_start3A_207 = arith.constant 128 : i32
    %dma_start3A_208 = arith.constant 0 : i32
    %dma_start3A_209 = tpu.memref_slice %arg5[%dma_start3A_207, %dma_start3A_208] : memref<2048x16xf32, #tpu.memory_space<vmem>> -> memref<128x16xf32, #tpu.memory_space<vmem>>
    %dma_start3A_210 = arith.constant 0 : i32
    %dma_start3A_211 = tpu.memref_slice %arg6[%dma_start3A_206, %dma_start3A_210] : memref<16x128xi32, #tpu.memory_space<vmem>> -> memref<1x128xi32, #tpu.memory_space<vmem>>
    %dma_start3A_212 = tpu.memref_squeeze %dma_start3A_211 : memref<1x128xi32, #tpu.memory_space<vmem>> -> memref<128xi32, #tpu.memory_space<vmem>>
    %dma_start3A_213 = arith.constant 0 : i32
    %dma_start3A_214 = arith.constant 0 : i32
    %dma_start3A_215 = tpu.memref_slice %arg8[%dma_start3A_213, %dma_start3A_214] : memref<32x16xf32, #tpu.memory_space<vmem_shared>> -> memref<32x16xf32, #tpu.memory_space<vmem_shared>>
    tpu.enqueue_indirect_dma source(%dma_start3A_209 : memref<128x16xf32, #tpu.memory_space<vmem>>) target(%dma_start3A_215 : memref<32x16xf32, #tpu.memory_space<vmem_shared>>) offsets(%dma_start3A_212 : memref<128xi32, #tpu.memory_space<vmem>>) semaphore(%arg9 : memref<!tpu.dma_semaphore, #tpu.memory_space<semaphore_mem>>) {add = true}
    %dma_start3A_216 = arith.constant 2 : i32
    %dma_start3A_217 = arith.constant 256 : i32
    %dma_start3A_218 = arith.constant 0 : i32
    %dma_start3A_219 = tpu.memref_slice %arg5[%dma_start3A_217, %dma_start3A_218] : memref<2048x16xf32, #tpu.memory_space<vmem>> -> memref<128x16xf32, #tpu.memory_space<vmem>>
    %dma_start3A_220 = arith.constant 0 : i32
    %dma_start3A_221 = tpu.memref_slice %arg6[%dma_start3A_216, %dma_start3A_220] : memref<16x128xi32, #tpu.memory_space<vmem>> -> memref<1x128xi32, #tpu.memory_space<vmem>>
    %dma_start3A_222 = tpu.memref_squeeze %dma_start3A_221 : memref<1x128xi32, #tpu.memory_space<vmem>> -> memref<128xi32, #tpu.memory_space<vmem>>
    %dma_start3A_223 = arith.constant 0 : i32
    %dma_start3A_224 = arith.constant 0 : i32
    %dma_start3A_225 = tpu.memref_slice %arg8[%dma_start3A_223, %dma_start3A_224] : memref<32x16xf32, #tpu.memory_space<vmem_shared>> -> memref<32x16xf32, #tpu.memory_space<vmem_shared>>
    tpu.enqueue_indirect_dma source(%dma_start3A_219 : memref<128x16xf32, #tpu.memory_space<vmem>>) target(%dma_start3A_225 : memref<32x16xf32, #tpu.memory_space<vmem_shared>>) offsets(%dma_start3A_222 : memref<128xi32, #tpu.memory_space<vmem>>) semaphore(%arg9 : memref<!tpu.dma_semaphore, #tpu.memory_space<semaphore_mem>>) {add = true}
    %dma_start3A_226 = arith.constant 3 : i32
    %dma_start3A_227 = arith.constant 384 : i32
    %dma_start3A_228 = arith.constant 0 : i32
    %dma_start3A_229 = tpu.memref_slice %arg5[%dma_start3A_227, %dma_start3A_228] : memref<2048x16xf32, #tpu.memory_space<vmem>> -> memref<128x16xf32, #tpu.memory_space<vmem>>
    %dma_start3A_230 = arith.constant 0 : i32
    %dma_start3A_231 = tpu.memref_slice %arg6[%dma_start3A_226, %dma_start3A_230] : memref<16x128xi32, #tpu.memory_space<vmem>> -> memref<1x128xi32, #tpu.memory_space<vmem>>
    %dma_start3A_232 = tpu.memref_squeeze %dma_start3A_231 : memref<1x128xi32, #tpu.memory_space<vmem>> -> memref<128xi32, #tpu.memory_space<vmem>>
    %dma_start3A_233 = arith.constant 0 : i32
    %dma_start3A_234 = arith.constant 0 : i32
    %dma_start3A_235 = tpu.memref_slice %arg8[%dma_start3A_233, %dma_start3A_234] : memref<32x16xf32, #tpu.memory_space<vmem_shared>> -> memref<32x16xf32, #tpu.memory_space<vmem_shared>>
    tpu.enqueue_indirect_dma source(%dma_start3A_229 : memref<128x16xf32, #tpu.memory_space<vmem>>) target(%dma_start3A_235 : memref<32x16xf32, #tpu.memory_space<vmem_shared>>) offsets(%dma_start3A_232 : memref<128xi32, #tpu.memory_space<vmem>>) semaphore(%arg9 : memref<!tpu.dma_semaphore, #tpu.memory_space<semaphore_mem>>) {add = true}
    %dma_start3A_236 = arith.constant 4 : i32
    %dma_start3A_237 = arith.constant 512 : i32
    %dma_start3A_238 = arith.constant 0 : i32
    %dma_start3A_239 = tpu.memref_slice %arg5[%dma_start3A_237, %dma_start3A_238] : memref<2048x16xf32, #tpu.memory_space<vmem>> -> memref<128x16xf32, #tpu.memory_space<vmem>>
    %dma_start3A_240 = arith.constant 0 : i32
    %dma_start3A_241 = tpu.memref_slice %arg6[%dma_start3A_236, %dma_start3A_240] : memref<16x128xi32, #tpu.memory_space<vmem>> -> memref<1x128xi32, #tpu.memory_space<vmem>>
    %dma_start3A_242 = tpu.memref_squeeze %dma_start3A_241 : memref<1x128xi32, #tpu.memory_space<vmem>> -> memref<128xi32, #tpu.memory_space<vmem>>
    %dma_start3A_243 = arith.constant 0 : i32
    %dma_start3A_244 = arith.constant 0 : i32
    %dma_start3A_245 = tpu.memref_slice %arg8[%dma_start3A_243, %dma_start3A_244] : memref<32x16xf32, #tpu.memory_space<vmem_shared>> -> memref<32x16xf32, #tpu.memory_space<vmem_shared>>
    tpu.enqueue_indirect_dma source(%dma_start3A_239 : memref<128x16xf32, #tpu.memory_space<vmem>>) target(%dma_start3A_245 : memref<32x16xf32, #tpu.memory_space<vmem_shared>>) offsets(%dma_start3A_242 : memref<128xi32, #tpu.memory_space<vmem>>) semaphore(%arg9 : memref<!tpu.dma_semaphore, #tpu.memory_space<semaphore_mem>>) {add = true}
    %dma_start3A_246 = arith.constant 5 : i32
    %dma_start3A_247 = arith.constant 640 : i32
    %dma_start3A_248 = arith.constant 0 : i32
    %dma_start3A_249 = tpu.memref_slice %arg5[%dma_start3A_247, %dma_start3A_248] : memref<2048x16xf32, #tpu.memory_space<vmem>> -> memref<128x16xf32, #tpu.memory_space<vmem>>
    %dma_start3A_250 = arith.constant 0 : i32
    %dma_start3A_251 = tpu.memref_slice %arg6[%dma_start3A_246, %dma_start3A_250] : memref<16x128xi32, #tpu.memory_space<vmem>> -> memref<1x128xi32, #tpu.memory_space<vmem>>
    %dma_start3A_252 = tpu.memref_squeeze %dma_start3A_251 : memref<1x128xi32, #tpu.memory_space<vmem>> -> memref<128xi32, #tpu.memory_space<vmem>>
    %dma_start3A_253 = arith.constant 0 : i32
    %dma_start3A_254 = arith.constant 0 : i32
    %dma_start3A_255 = tpu.memref_slice %arg8[%dma_start3A_253, %dma_start3A_254] : memref<32x16xf32, #tpu.memory_space<vmem_shared>> -> memref<32x16xf32, #tpu.memory_space<vmem_shared>>
    tpu.enqueue_indirect_dma source(%dma_start3A_249 : memref<128x16xf32, #tpu.memory_space<vmem>>) target(%dma_start3A_255 : memref<32x16xf32, #tpu.memory_space<vmem_shared>>) offsets(%dma_start3A_252 : memref<128xi32, #tpu.memory_space<vmem>>) semaphore(%arg9 : memref<!tpu.dma_semaphore, #tpu.memory_space<semaphore_mem>>) {add = true}
    %dma_start3A_256 = arith.constant 6 : i32
    %dma_start3A_257 = arith.constant 768 : i32
    %dma_start3A_258 = arith.constant 0 : i32
    %dma_start3A_259 = tpu.memref_slice %arg5[%dma_start3A_257, %dma_start3A_258] : memref<2048x16xf32, #tpu.memory_space<vmem>> -> memref<128x16xf32, #tpu.memory_space<vmem>>
    %dma_start3A_260 = arith.constant 0 : i32
    %dma_start3A_261 = tpu.memref_slice %arg6[%dma_start3A_256, %dma_start3A_260] : memref<16x128xi32, #tpu.memory_space<vmem>> -> memref<1x128xi32, #tpu.memory_space<vmem>>
    %dma_start3A_262 = tpu.memref_squeeze %dma_start3A_261 : memref<1x128xi32, #tpu.memory_space<vmem>> -> memref<128xi32, #tpu.memory_space<vmem>>
    %dma_start3A_263 = arith.constant 0 : i32
    %dma_start3A_264 = arith.constant 0 : i32
    %dma_start3A_265 = tpu.memref_slice %arg8[%dma_start3A_263, %dma_start3A_264] : memref<32x16xf32, #tpu.memory_space<vmem_shared>> -> memref<32x16xf32, #tpu.memory_space<vmem_shared>>
    tpu.enqueue_indirect_dma source(%dma_start3A_259 : memref<128x16xf32, #tpu.memory_space<vmem>>) target(%dma_start3A_265 : memref<32x16xf32, #tpu.memory_space<vmem_shared>>) offsets(%dma_start3A_262 : memref<128xi32, #tpu.memory_space<vmem>>) semaphore(%arg9 : memref<!tpu.dma_semaphore, #tpu.memory_space<semaphore_mem>>) {add = true}
    %dma_start3A_266 = arith.constant 7 : i32
    %dma_start3A_267 = arith.constant 896 : i32
    %dma_start3A_268 = arith.constant 0 : i32
    %dma_start3A_269 = tpu.memref_slice %arg5[%dma_start3A_267, %dma_start3A_268] : memref<2048x16xf32, #tpu.memory_space<vmem>> -> memref<128x16xf32, #tpu.memory_space<vmem>>
    %dma_start3A_270 = arith.constant 0 : i32
    %dma_start3A_271 = tpu.memref_slice %arg6[%dma_start3A_266, %dma_start3A_270] : memref<16x128xi32, #tpu.memory_space<vmem>> -> memref<1x128xi32, #tpu.memory_space<vmem>>
    %dma_start3A_272 = tpu.memref_squeeze %dma_start3A_271 : memref<1x128xi32, #tpu.memory_space<vmem>> -> memref<128xi32, #tpu.memory_space<vmem>>
    %dma_start3A_273 = arith.constant 0 : i32
    %dma_start3A_274 = arith.constant 0 : i32
    %dma_start3A_275 = tpu.memref_slice %arg8[%dma_start3A_273, %dma_start3A_274] : memref<32x16xf32, #tpu.memory_space<vmem_shared>> -> memref<32x16xf32, #tpu.memory_space<vmem_shared>>
    tpu.enqueue_indirect_dma source(%dma_start3A_269 : memref<128x16xf32, #tpu.memory_space<vmem>>) target(%dma_start3A_275 : memref<32x16xf32, #tpu.memory_space<vmem_shared>>) offsets(%dma_start3A_272 : memref<128xi32, #tpu.memory_space<vmem>>) semaphore(%arg9 : memref<!tpu.dma_semaphore, #tpu.memory_space<semaphore_mem>>) {add = true}
    %dma_start3A_276 = arith.constant 8 : i32
    %dma_start3A_277 = arith.constant 1024 : i32
    %dma_start3A_278 = arith.constant 0 : i32
    %dma_start3A_279 = tpu.memref_slice %arg5[%dma_start3A_277, %dma_start3A_278] : memref<2048x16xf32, #tpu.memory_space<vmem>> -> memref<128x16xf32, #tpu.memory_space<vmem>>
    %dma_start3A_280 = arith.constant 0 : i32
    %dma_start3A_281 = tpu.memref_slice %arg6[%dma_start3A_276, %dma_start3A_280] : memref<16x128xi32, #tpu.memory_space<vmem>> -> memref<1x128xi32, #tpu.memory_space<vmem>>
    %dma_start3A_282 = tpu.memref_squeeze %dma_start3A_281 : memref<1x128xi32, #tpu.memory_space<vmem>> -> memref<128xi32, #tpu.memory_space<vmem>>
    %dma_start3A_283 = arith.constant 0 : i32
    %dma_start3A_284 = arith.constant 0 : i32
    %dma_start3A_285 = tpu.memref_slice %arg8[%dma_start3A_283, %dma_start3A_284] : memref<32x16xf32, #tpu.memory_space<vmem_shared>> -> memref<32x16xf32, #tpu.memory_space<vmem_shared>>
    tpu.enqueue_indirect_dma source(%dma_start3A_279 : memref<128x16xf32, #tpu.memory_space<vmem>>) target(%dma_start3A_285 : memref<32x16xf32, #tpu.memory_space<vmem_shared>>) offsets(%dma_start3A_282 : memref<128xi32, #tpu.memory_space<vmem>>) semaphore(%arg9 : memref<!tpu.dma_semaphore, #tpu.memory_space<semaphore_mem>>) {add = true}
    %dma_start3A_286 = arith.constant 9 : i32
    %dma_start3A_287 = arith.constant 1152 : i32
    %dma_start3A_288 = arith.constant 0 : i32
    %dma_start3A_289 = tpu.memref_slice %arg5[%dma_start3A_287, %dma_start3A_288] : memref<2048x16xf32, #tpu.memory_space<vmem>> -> memref<128x16xf32, #tpu.memory_space<vmem>>
    %dma_start3A_290 = arith.constant 0 : i32
    %dma_start3A_291 = tpu.memref_slice %arg6[%dma_start3A_286, %dma_start3A_290] : memref<16x128xi32, #tpu.memory_space<vmem>> -> memref<1x128xi32, #tpu.memory_space<vmem>>
    %dma_start3A_292 = tpu.memref_squeeze %dma_start3A_291 : memref<1x128xi32, #tpu.memory_space<vmem>> -> memref<128xi32, #tpu.memory_space<vmem>>
    %dma_start3A_293 = arith.constant 0 : i32
    %dma_start3A_294 = arith.constant 0 : i32
    %dma_start3A_295 = tpu.memref_slice %arg8[%dma_start3A_293, %dma_start3A_294] : memref<32x16xf32, #tpu.memory_space<vmem_shared>> -> memref<32x16xf32, #tpu.memory_space<vmem_shared>>
    tpu.enqueue_indirect_dma source(%dma_start3A_289 : memref<128x16xf32, #tpu.memory_space<vmem>>) target(%dma_start3A_295 : memref<32x16xf32, #tpu.memory_space<vmem_shared>>) offsets(%dma_start3A_292 : memref<128xi32, #tpu.memory_space<vmem>>) semaphore(%arg9 : memref<!tpu.dma_semaphore, #tpu.memory_space<semaphore_mem>>) {add = true}
    %dma_start3A_296 = arith.constant 10 : i32
    %dma_start3A_297 = arith.constant 1280 : i32
    %dma_start3A_298 = arith.constant 0 : i32
    %dma_start3A_299 = tpu.memref_slice %arg5[%dma_start3A_297, %dma_start3A_298] : memref<2048x16xf32, #tpu.memory_space<vmem>> -> memref<128x16xf32, #tpu.memory_space<vmem>>
    %dma_start3A_300 = arith.constant 0 : i32
    %dma_start3A_301 = tpu.memref_slice %arg6[%dma_start3A_296, %dma_start3A_300] : memref<16x128xi32, #tpu.memory_space<vmem>> -> memref<1x128xi32, #tpu.memory_space<vmem>>
    %dma_start3A_302 = tpu.memref_squeeze %dma_start3A_301 : memref<1x128xi32, #tpu.memory_space<vmem>> -> memref<128xi32, #tpu.memory_space<vmem>>
    %dma_start3A_303 = arith.constant 0 : i32
    %dma_start3A_304 = arith.constant 0 : i32
    %dma_start3A_305 = tpu.memref_slice %arg8[%dma_start3A_303, %dma_start3A_304] : memref<32x16xf32, #tpu.memory_space<vmem_shared>> -> memref<32x16xf32, #tpu.memory_space<vmem_shared>>
    tpu.enqueue_indirect_dma source(%dma_start3A_299 : memref<128x16xf32, #tpu.memory_space<vmem>>) target(%dma_start3A_305 : memref<32x16xf32, #tpu.memory_space<vmem_shared>>) offsets(%dma_start3A_302 : memref<128xi32, #tpu.memory_space<vmem>>) semaphore(%arg9 : memref<!tpu.dma_semaphore, #tpu.memory_space<semaphore_mem>>) {add = true}
    %dma_start3A_306 = arith.constant 11 : i32
    %dma_start3A_307 = arith.constant 1408 : i32
    %dma_start3A_308 = arith.constant 0 : i32
    %dma_start3A_309 = tpu.memref_slice %arg5[%dma_start3A_307, %dma_start3A_308] : memref<2048x16xf32, #tpu.memory_space<vmem>> -> memref<128x16xf32, #tpu.memory_space<vmem>>
    %dma_start3A_310 = arith.constant 0 : i32
    %dma_start3A_311 = tpu.memref_slice %arg6[%dma_start3A_306, %dma_start3A_310] : memref<16x128xi32, #tpu.memory_space<vmem>> -> memref<1x128xi32, #tpu.memory_space<vmem>>
    %dma_start3A_312 = tpu.memref_squeeze %dma_start3A_311 : memref<1x128xi32, #tpu.memory_space<vmem>> -> memref<128xi32, #tpu.memory_space<vmem>>
    %dma_start3A_313 = arith.constant 0 : i32
    %dma_start3A_314 = arith.constant 0 : i32
    %dma_start3A_315 = tpu.memref_slice %arg8[%dma_start3A_313, %dma_start3A_314] : memref<32x16xf32, #tpu.memory_space<vmem_shared>> -> memref<32x16xf32, #tpu.memory_space<vmem_shared>>
    tpu.enqueue_indirect_dma source(%dma_start3A_309 : memref<128x16xf32, #tpu.memory_space<vmem>>) target(%dma_start3A_315 : memref<32x16xf32, #tpu.memory_space<vmem_shared>>) offsets(%dma_start3A_312 : memref<128xi32, #tpu.memory_space<vmem>>) semaphore(%arg9 : memref<!tpu.dma_semaphore, #tpu.memory_space<semaphore_mem>>) {add = true}
    %dma_start3A_316 = arith.constant 12 : i32
    %dma_start3A_317 = arith.constant 1536 : i32
    %dma_start3A_318 = arith.constant 0 : i32
    %dma_start3A_319 = tpu.memref_slice %arg5[%dma_start3A_317, %dma_start3A_318] : memref<2048x16xf32, #tpu.memory_space<vmem>> -> memref<128x16xf32, #tpu.memory_space<vmem>>
    %dma_start3A_320 = arith.constant 0 : i32
    %dma_start3A_321 = tpu.memref_slice %arg6[%dma_start3A_316, %dma_start3A_320] : memref<16x128xi32, #tpu.memory_space<vmem>> -> memref<1x128xi32, #tpu.memory_space<vmem>>
    %dma_start3A_322 = tpu.memref_squeeze %dma_start3A_321 : memref<1x128xi32, #tpu.memory_space<vmem>> -> memref<128xi32, #tpu.memory_space<vmem>>
    %dma_start3A_323 = arith.constant 0 : i32
    %dma_start3A_324 = arith.constant 0 : i32
    %dma_start3A_325 = tpu.memref_slice %arg8[%dma_start3A_323, %dma_start3A_324] : memref<32x16xf32, #tpu.memory_space<vmem_shared>> -> memref<32x16xf32, #tpu.memory_space<vmem_shared>>
    tpu.enqueue_indirect_dma source(%dma_start3A_319 : memref<128x16xf32, #tpu.memory_space<vmem>>) target(%dma_start3A_325 : memref<32x16xf32, #tpu.memory_space<vmem_shared>>) offsets(%dma_start3A_322 : memref<128xi32, #tpu.memory_space<vmem>>) semaphore(%arg9 : memref<!tpu.dma_semaphore, #tpu.memory_space<semaphore_mem>>) {add = true}
    %dma_start3A_326 = arith.constant 13 : i32
    %dma_start3A_327 = arith.constant 1664 : i32
    %dma_start3A_328 = arith.constant 0 : i32
    %dma_start3A_329 = tpu.memref_slice %arg5[%dma_start3A_327, %dma_start3A_328] : memref<2048x16xf32, #tpu.memory_space<vmem>> -> memref<128x16xf32, #tpu.memory_space<vmem>>
    %dma_start3A_330 = arith.constant 0 : i32
    %dma_start3A_331 = tpu.memref_slice %arg6[%dma_start3A_326, %dma_start3A_330] : memref<16x128xi32, #tpu.memory_space<vmem>> -> memref<1x128xi32, #tpu.memory_space<vmem>>
    %dma_start3A_332 = tpu.memref_squeeze %dma_start3A_331 : memref<1x128xi32, #tpu.memory_space<vmem>> -> memref<128xi32, #tpu.memory_space<vmem>>
    %dma_start3A_333 = arith.constant 0 : i32
    %dma_start3A_334 = arith.constant 0 : i32
    %dma_start3A_335 = tpu.memref_slice %arg8[%dma_start3A_333, %dma_start3A_334] : memref<32x16xf32, #tpu.memory_space<vmem_shared>> -> memref<32x16xf32, #tpu.memory_space<vmem_shared>>
    tpu.enqueue_indirect_dma source(%dma_start3A_329 : memref<128x16xf32, #tpu.memory_space<vmem>>) target(%dma_start3A_335 : memref<32x16xf32, #tpu.memory_space<vmem_shared>>) offsets(%dma_start3A_332 : memref<128xi32, #tpu.memory_space<vmem>>) semaphore(%arg9 : memref<!tpu.dma_semaphore, #tpu.memory_space<semaphore_mem>>) {add = true}
    %dma_start3A_336 = arith.constant 14 : i32
    %dma_start3A_337 = arith.constant 1792 : i32
    %dma_start3A_338 = arith.constant 0 : i32
    %dma_start3A_339 = tpu.memref_slice %arg5[%dma_start3A_337, %dma_start3A_338] : memref<2048x16xf32, #tpu.memory_space<vmem>> -> memref<128x16xf32, #tpu.memory_space<vmem>>
    %dma_start3A_340 = arith.constant 0 : i32
    %dma_start3A_341 = tpu.memref_slice %arg6[%dma_start3A_336, %dma_start3A_340] : memref<16x128xi32, #tpu.memory_space<vmem>> -> memref<1x128xi32, #tpu.memory_space<vmem>>
    %dma_start3A_342 = tpu.memref_squeeze %dma_start3A_341 : memref<1x128xi32, #tpu.memory_space<vmem>> -> memref<128xi32, #tpu.memory_space<vmem>>
    %dma_start3A_343 = arith.constant 0 : i32
    %dma_start3A_344 = arith.constant 0 : i32
    %dma_start3A_345 = tpu.memref_slice %arg8[%dma_start3A_343, %dma_start3A_344] : memref<32x16xf32, #tpu.memory_space<vmem_shared>> -> memref<32x16xf32, #tpu.memory_space<vmem_shared>>
    tpu.enqueue_indirect_dma source(%dma_start3A_339 : memref<128x16xf32, #tpu.memory_space<vmem>>) target(%dma_start3A_345 : memref<32x16xf32, #tpu.memory_space<vmem_shared>>) offsets(%dma_start3A_342 : memref<128xi32, #tpu.memory_space<vmem>>) semaphore(%arg9 : memref<!tpu.dma_semaphore, #tpu.memory_space<semaphore_mem>>) {add = true}
    %dma_start3A_346 = arith.constant 15 : i32
    %dma_start3A_347 = arith.constant 1920 : i32
    %dma_start3A_348 = arith.constant 0 : i32
    %dma_start3A_349 = tpu.memref_slice %arg5[%dma_start3A_347, %dma_start3A_348] : memref<2048x16xf32, #tpu.memory_space<vmem>> -> memref<128x16xf32, #tpu.memory_space<vmem>>
    %dma_start3A_350 = arith.constant 0 : i32
    %dma_start3A_351 = tpu.memref_slice %arg6[%dma_start3A_346, %dma_start3A_350] : memref<16x128xi32, #tpu.memory_space<vmem>> -> memref<1x128xi32, #tpu.memory_space<vmem>>
    %dma_start3A_352 = tpu.memref_squeeze %dma_start3A_351 : memref<1x128xi32, #tpu.memory_space<vmem>> -> memref<128xi32, #tpu.memory_space<vmem>>
    %dma_start3A_353 = arith.constant 0 : i32
    %dma_start3A_354 = arith.constant 0 : i32
    %dma_start3A_355 = tpu.memref_slice %arg8[%dma_start3A_353, %dma_start3A_354] : memref<32x16xf32, #tpu.memory_space<vmem_shared>> -> memref<32x16xf32, #tpu.memory_space<vmem_shared>>
    tpu.enqueue_indirect_dma source(%dma_start3A_349 : memref<128x16xf32, #tpu.memory_space<vmem>>) target(%dma_start3A_355 : memref<32x16xf32, #tpu.memory_space<vmem_shared>>) offsets(%dma_start3A_352 : memref<128xi32, #tpu.memory_space<vmem>>) semaphore(%arg9 : memref<!tpu.dma_semaphore, #tpu.memory_space<semaphore_mem>>) {add = true}
    %dma_wait3A = arith.constant 0 : i32
    %dma_wait3A_356 = arith.constant 0 : i32
    %dma_wait3A_357 = arith.constant 0 : i32
    %dma_wait3A_358 = tpu.memref_slice %arg5[%dma_wait3A_356, %dma_wait3A_357] : memref<2048x16xf32, #tpu.memory_space<vmem>> -> memref<128x16xf32, #tpu.memory_space<vmem>>
    %dma_wait3A_359 = arith.constant 0 : i32
    %dma_wait3A_360 = tpu.memref_slice %arg6[%dma_wait3A, %dma_wait3A_359] : memref<16x128xi32, #tpu.memory_space<vmem>> -> memref<1x128xi32, #tpu.memory_space<vmem>>
    %dma_wait3A_361 = tpu.memref_squeeze %dma_wait3A_360 : memref<1x128xi32, #tpu.memory_space<vmem>> -> memref<128xi32, #tpu.memory_space<vmem>>
    %dma_wait3A_362 = arith.constant 0 : i32
    %dma_wait3A_363 = arith.constant 0 : i32
    %dma_wait3A_364 = tpu.memref_slice %arg8[%dma_wait3A_362, %dma_wait3A_363] : memref<32x16xf32, #tpu.memory_space<vmem_shared>> -> memref<32x16xf32, #tpu.memory_space<vmem_shared>>
    tpu.wait_indirect_dma semaphore(%arg9 : memref<!tpu.dma_semaphore, #tpu.memory_space<semaphore_mem>>) src(%dma_wait3A_358 : memref<128x16xf32, #tpu.memory_space<vmem>>) dst(%dma_wait3A_364 : memref<32x16xf32, #tpu.memory_space<vmem_shared>>)
    %dma_wait3A_365 = arith.constant 1 : i32
    %dma_wait3A_366 = arith.constant 128 : i32
    %dma_wait3A_367 = arith.constant 0 : i32
    %dma_wait3A_368 = tpu.memref_slice %arg5[%dma_wait3A_366, %dma_wait3A_367] : memref<2048x16xf32, #tpu.memory_space<vmem>> -> memref<128x16xf32, #tpu.memory_space<vmem>>
    %dma_wait3A_369 = arith.constant 0 : i32
    %dma_wait3A_370 = tpu.memref_slice %arg6[%dma_wait3A_365, %dma_wait3A_369] : memref<16x128xi32, #tpu.memory_space<vmem>> -> memref<1x128xi32, #tpu.memory_space<vmem>>
    %dma_wait3A_371 = tpu.memref_squeeze %dma_wait3A_370 : memref<1x128xi32, #tpu.memory_space<vmem>> -> memref<128xi32, #tpu.memory_space<vmem>>
    %dma_wait3A_372 = arith.constant 0 : i32
    %dma_wait3A_373 = arith.constant 0 : i32
    %dma_wait3A_374 = tpu.memref_slice %arg8[%dma_wait3A_372, %dma_wait3A_373] : memref<32x16xf32, #tpu.memory_space<vmem_shared>> -> memref<32x16xf32, #tpu.memory_space<vmem_shared>>
    tpu.wait_indirect_dma semaphore(%arg9 : memref<!tpu.dma_semaphore, #tpu.memory_space<semaphore_mem>>) src(%dma_wait3A_368 : memref<128x16xf32, #tpu.memory_space<vmem>>) dst(%dma_wait3A_374 : memref<32x16xf32, #tpu.memory_space<vmem_shared>>)
    %dma_wait3A_375 = arith.constant 2 : i32
    %dma_wait3A_376 = arith.constant 256 : i32
    %dma_wait3A_377 = arith.constant 0 : i32
    %dma_wait3A_378 = tpu.memref_slice %arg5[%dma_wait3A_376, %dma_wait3A_377] : memref<2048x16xf32, #tpu.memory_space<vmem>> -> memref<128x16xf32, #tpu.memory_space<vmem>>
    %dma_wait3A_379 = arith.constant 0 : i32
    %dma_wait3A_380 = tpu.memref_slice %arg6[%dma_wait3A_375, %dma_wait3A_379] : memref<16x128xi32, #tpu.memory_space<vmem>> -> memref<1x128xi32, #tpu.memory_space<vmem>>
    %dma_wait3A_381 = tpu.memref_squeeze %dma_wait3A_380 : memref<1x128xi32, #tpu.memory_space<vmem>> -> memref<128xi32, #tpu.memory_space<vmem>>
    %dma_wait3A_382 = arith.constant 0 : i32
    %dma_wait3A_383 = arith.constant 0 : i32
    %dma_wait3A_384 = tpu.memref_slice %arg8[%dma_wait3A_382, %dma_wait3A_383] : memref<32x16xf32, #tpu.memory_space<vmem_shared>> -> memref<32x16xf32, #tpu.memory_space<vmem_shared>>
    tpu.wait_indirect_dma semaphore(%arg9 : memref<!tpu.dma_semaphore, #tpu.memory_space<semaphore_mem>>) src(%dma_wait3A_378 : memref<128x16xf32, #tpu.memory_space<vmem>>) dst(%dma_wait3A_384 : memref<32x16xf32, #tpu.memory_space<vmem_shared>>)
    %dma_wait3A_385 = arith.constant 3 : i32
    %dma_wait3A_386 = arith.constant 384 : i32
    %dma_wait3A_387 = arith.constant 0 : i32
    %dma_wait3A_388 = tpu.memref_slice %arg5[%dma_wait3A_386, %dma_wait3A_387] : memref<2048x16xf32, #tpu.memory_space<vmem>> -> memref<128x16xf32, #tpu.memory_space<vmem>>
    %dma_wait3A_389 = arith.constant 0 : i32
    %dma_wait3A_390 = tpu.memref_slice %arg6[%dma_wait3A_385, %dma_wait3A_389] : memref<16x128xi32, #tpu.memory_space<vmem>> -> memref<1x128xi32, #tpu.memory_space<vmem>>
    %dma_wait3A_391 = tpu.memref_squeeze %dma_wait3A_390 : memref<1x128xi32, #tpu.memory_space<vmem>> -> memref<128xi32, #tpu.memory_space<vmem>>
    %dma_wait3A_392 = arith.constant 0 : i32
    %dma_wait3A_393 = arith.constant 0 : i32
    %dma_wait3A_394 = tpu.memref_slice %arg8[%dma_wait3A_392, %dma_wait3A_393] : memref<32x16xf32, #tpu.memory_space<vmem_shared>> -> memref<32x16xf32, #tpu.memory_space<vmem_shared>>
    tpu.wait_indirect_dma semaphore(%arg9 : memref<!tpu.dma_semaphore, #tpu.memory_space<semaphore_mem>>) src(%dma_wait3A_388 : memref<128x16xf32, #tpu.memory_space<vmem>>) dst(%dma_wait3A_394 : memref<32x16xf32, #tpu.memory_space<vmem_shared>>)
    %dma_wait3A_395 = arith.constant 4 : i32
    %dma_wait3A_396 = arith.constant 512 : i32
    %dma_wait3A_397 = arith.constant 0 : i32
    %dma_wait3A_398 = tpu.memref_slice %arg5[%dma_wait3A_396, %dma_wait3A_397] : memref<2048x16xf32, #tpu.memory_space<vmem>> -> memref<128x16xf32, #tpu.memory_space<vmem>>
    %dma_wait3A_399 = arith.constant 0 : i32
    %dma_wait3A_400 = tpu.memref_slice %arg6[%dma_wait3A_395, %dma_wait3A_399] : memref<16x128xi32, #tpu.memory_space<vmem>> -> memref<1x128xi32, #tpu.memory_space<vmem>>
    %dma_wait3A_401 = tpu.memref_squeeze %dma_wait3A_400 : memref<1x128xi32, #tpu.memory_space<vmem>> -> memref<128xi32, #tpu.memory_space<vmem>>
    %dma_wait3A_402 = arith.constant 0 : i32
    %dma_wait3A_403 = arith.constant 0 : i32
    %dma_wait3A_404 = tpu.memref_slice %arg8[%dma_wait3A_402, %dma_wait3A_403] : memref<32x16xf32, #tpu.memory_space<vmem_shared>> -> memref<32x16xf32, #tpu.memory_space<vmem_shared>>
    tpu.wait_indirect_dma semaphore(%arg9 : memref<!tpu.dma_semaphore, #tpu.memory_space<semaphore_mem>>) src(%dma_wait3A_398 : memref<128x16xf32, #tpu.memory_space<vmem>>) dst(%dma_wait3A_404 : memref<32x16xf32, #tpu.memory_space<vmem_shared>>)
    %dma_wait3A_405 = arith.constant 5 : i32
    %dma_wait3A_406 = arith.constant 640 : i32
    %dma_wait3A_407 = arith.constant 0 : i32
    %dma_wait3A_408 = tpu.memref_slice %arg5[%dma_wait3A_406, %dma_wait3A_407] : memref<2048x16xf32, #tpu.memory_space<vmem>> -> memref<128x16xf32, #tpu.memory_space<vmem>>
    %dma_wait3A_409 = arith.constant 0 : i32
    %dma_wait3A_410 = tpu.memref_slice %arg6[%dma_wait3A_405, %dma_wait3A_409] : memref<16x128xi32, #tpu.memory_space<vmem>> -> memref<1x128xi32, #tpu.memory_space<vmem>>
    %dma_wait3A_411 = tpu.memref_squeeze %dma_wait3A_410 : memref<1x128xi32, #tpu.memory_space<vmem>> -> memref<128xi32, #tpu.memory_space<vmem>>
    %dma_wait3A_412 = arith.constant 0 : i32
    %dma_wait3A_413 = arith.constant 0 : i32
    %dma_wait3A_414 = tpu.memref_slice %arg8[%dma_wait3A_412, %dma_wait3A_413] : memref<32x16xf32, #tpu.memory_space<vmem_shared>> -> memref<32x16xf32, #tpu.memory_space<vmem_shared>>
    tpu.wait_indirect_dma semaphore(%arg9 : memref<!tpu.dma_semaphore, #tpu.memory_space<semaphore_mem>>) src(%dma_wait3A_408 : memref<128x16xf32, #tpu.memory_space<vmem>>) dst(%dma_wait3A_414 : memref<32x16xf32, #tpu.memory_space<vmem_shared>>)
    %dma_wait3A_415 = arith.constant 6 : i32
    %dma_wait3A_416 = arith.constant 768 : i32
    %dma_wait3A_417 = arith.constant 0 : i32
    %dma_wait3A_418 = tpu.memref_slice %arg5[%dma_wait3A_416, %dma_wait3A_417] : memref<2048x16xf32, #tpu.memory_space<vmem>> -> memref<128x16xf32, #tpu.memory_space<vmem>>
    %dma_wait3A_419 = arith.constant 0 : i32
    %dma_wait3A_420 = tpu.memref_slice %arg6[%dma_wait3A_415, %dma_wait3A_419] : memref<16x128xi32, #tpu.memory_space<vmem>> -> memref<1x128xi32, #tpu.memory_space<vmem>>
    %dma_wait3A_421 = tpu.memref_squeeze %dma_wait3A_420 : memref<1x128xi32, #tpu.memory_space<vmem>> -> memref<128xi32, #tpu.memory_space<vmem>>
    %dma_wait3A_422 = arith.constant 0 : i32
    %dma_wait3A_423 = arith.constant 0 : i32
    %dma_wait3A_424 = tpu.memref_slice %arg8[%dma_wait3A_422, %dma_wait3A_423] : memref<32x16xf32, #tpu.memory_space<vmem_shared>> -> memref<32x16xf32, #tpu.memory_space<vmem_shared>>
    tpu.wait_indirect_dma semaphore(%arg9 : memref<!tpu.dma_semaphore, #tpu.memory_space<semaphore_mem>>) src(%dma_wait3A_418 : memref<128x16xf32, #tpu.memory_space<vmem>>) dst(%dma_wait3A_424 : memref<32x16xf32, #tpu.memory_space<vmem_shared>>)
    %dma_wait3A_425 = arith.constant 7 : i32
    %dma_wait3A_426 = arith.constant 896 : i32
    %dma_wait3A_427 = arith.constant 0 : i32
    %dma_wait3A_428 = tpu.memref_slice %arg5[%dma_wait3A_426, %dma_wait3A_427] : memref<2048x16xf32, #tpu.memory_space<vmem>> -> memref<128x16xf32, #tpu.memory_space<vmem>>
    %dma_wait3A_429 = arith.constant 0 : i32
    %dma_wait3A_430 = tpu.memref_slice %arg6[%dma_wait3A_425, %dma_wait3A_429] : memref<16x128xi32, #tpu.memory_space<vmem>> -> memref<1x128xi32, #tpu.memory_space<vmem>>
    %dma_wait3A_431 = tpu.memref_squeeze %dma_wait3A_430 : memref<1x128xi32, #tpu.memory_space<vmem>> -> memref<128xi32, #tpu.memory_space<vmem>>
    %dma_wait3A_432 = arith.constant 0 : i32
    %dma_wait3A_433 = arith.constant 0 : i32
    %dma_wait3A_434 = tpu.memref_slice %arg8[%dma_wait3A_432, %dma_wait3A_433] : memref<32x16xf32, #tpu.memory_space<vmem_shared>> -> memref<32x16xf32, #tpu.memory_space<vmem_shared>>
    tpu.wait_indirect_dma semaphore(%arg9 : memref<!tpu.dma_semaphore, #tpu.memory_space<semaphore_mem>>) src(%dma_wait3A_428 : memref<128x16xf32, #tpu.memory_space<vmem>>) dst(%dma_wait3A_434 : memref<32x16xf32, #tpu.memory_space<vmem_shared>>)
    %dma_wait3A_435 = arith.constant 8 : i32
    %dma_wait3A_436 = arith.constant 1024 : i32
    %dma_wait3A_437 = arith.constant 0 : i32
    %dma_wait3A_438 = tpu.memref_slice %arg5[%dma_wait3A_436, %dma_wait3A_437] : memref<2048x16xf32, #tpu.memory_space<vmem>> -> memref<128x16xf32, #tpu.memory_space<vmem>>
    %dma_wait3A_439 = arith.constant 0 : i32
    %dma_wait3A_440 = tpu.memref_slice %arg6[%dma_wait3A_435, %dma_wait3A_439] : memref<16x128xi32, #tpu.memory_space<vmem>> -> memref<1x128xi32, #tpu.memory_space<vmem>>
    %dma_wait3A_441 = tpu.memref_squeeze %dma_wait3A_440 : memref<1x128xi32, #tpu.memory_space<vmem>> -> memref<128xi32, #tpu.memory_space<vmem>>
    %dma_wait3A_442 = arith.constant 0 : i32
    %dma_wait3A_443 = arith.constant 0 : i32
    %dma_wait3A_444 = tpu.memref_slice %arg8[%dma_wait3A_442, %dma_wait3A_443] : memref<32x16xf32, #tpu.memory_space<vmem_shared>> -> memref<32x16xf32, #tpu.memory_space<vmem_shared>>
    tpu.wait_indirect_dma semaphore(%arg9 : memref<!tpu.dma_semaphore, #tpu.memory_space<semaphore_mem>>) src(%dma_wait3A_438 : memref<128x16xf32, #tpu.memory_space<vmem>>) dst(%dma_wait3A_444 : memref<32x16xf32, #tpu.memory_space<vmem_shared>>)
    %dma_wait3A_445 = arith.constant 9 : i32
    %dma_wait3A_446 = arith.constant 1152 : i32
    %dma_wait3A_447 = arith.constant 0 : i32
    %dma_wait3A_448 = tpu.memref_slice %arg5[%dma_wait3A_446, %dma_wait3A_447] : memref<2048x16xf32, #tpu.memory_space<vmem>> -> memref<128x16xf32, #tpu.memory_space<vmem>>
    %dma_wait3A_449 = arith.constant 0 : i32
    %dma_wait3A_450 = tpu.memref_slice %arg6[%dma_wait3A_445, %dma_wait3A_449] : memref<16x128xi32, #tpu.memory_space<vmem>> -> memref<1x128xi32, #tpu.memory_space<vmem>>
    %dma_wait3A_451 = tpu.memref_squeeze %dma_wait3A_450 : memref<1x128xi32, #tpu.memory_space<vmem>> -> memref<128xi32, #tpu.memory_space<vmem>>
    %dma_wait3A_452 = arith.constant 0 : i32
    %dma_wait3A_453 = arith.constant 0 : i32
    %dma_wait3A_454 = tpu.memref_slice %arg8[%dma_wait3A_452, %dma_wait3A_453] : memref<32x16xf32, #tpu.memory_space<vmem_shared>> -> memref<32x16xf32, #tpu.memory_space<vmem_shared>>
    tpu.wait_indirect_dma semaphore(%arg9 : memref<!tpu.dma_semaphore, #tpu.memory_space<semaphore_mem>>) src(%dma_wait3A_448 : memref<128x16xf32, #tpu.memory_space<vmem>>) dst(%dma_wait3A_454 : memref<32x16xf32, #tpu.memory_space<vmem_shared>>)
    %dma_wait3A_455 = arith.constant 10 : i32
    %dma_wait3A_456 = arith.constant 1280 : i32
    %dma_wait3A_457 = arith.constant 0 : i32
    %dma_wait3A_458 = tpu.memref_slice %arg5[%dma_wait3A_456, %dma_wait3A_457] : memref<2048x16xf32, #tpu.memory_space<vmem>> -> memref<128x16xf32, #tpu.memory_space<vmem>>
    %dma_wait3A_459 = arith.constant 0 : i32
    %dma_wait3A_460 = tpu.memref_slice %arg6[%dma_wait3A_455, %dma_wait3A_459] : memref<16x128xi32, #tpu.memory_space<vmem>> -> memref<1x128xi32, #tpu.memory_space<vmem>>
    %dma_wait3A_461 = tpu.memref_squeeze %dma_wait3A_460 : memref<1x128xi32, #tpu.memory_space<vmem>> -> memref<128xi32, #tpu.memory_space<vmem>>
    %dma_wait3A_462 = arith.constant 0 : i32
    %dma_wait3A_463 = arith.constant 0 : i32
    %dma_wait3A_464 = tpu.memref_slice %arg8[%dma_wait3A_462, %dma_wait3A_463] : memref<32x16xf32, #tpu.memory_space<vmem_shared>> -> memref<32x16xf32, #tpu.memory_space<vmem_shared>>
    tpu.wait_indirect_dma semaphore(%arg9 : memref<!tpu.dma_semaphore, #tpu.memory_space<semaphore_mem>>) src(%dma_wait3A_458 : memref<128x16xf32, #tpu.memory_space<vmem>>) dst(%dma_wait3A_464 : memref<32x16xf32, #tpu.memory_space<vmem_shared>>)
    %dma_wait3A_465 = arith.constant 11 : i32
    %dma_wait3A_466 = arith.constant 1408 : i32
    %dma_wait3A_467 = arith.constant 0 : i32
    %dma_wait3A_468 = tpu.memref_slice %arg5[%dma_wait3A_466, %dma_wait3A_467] : memref<2048x16xf32, #tpu.memory_space<vmem>> -> memref<128x16xf32, #tpu.memory_space<vmem>>
    %dma_wait3A_469 = arith.constant 0 : i32
    %dma_wait3A_470 = tpu.memref_slice %arg6[%dma_wait3A_465, %dma_wait3A_469] : memref<16x128xi32, #tpu.memory_space<vmem>> -> memref<1x128xi32, #tpu.memory_space<vmem>>
    %dma_wait3A_471 = tpu.memref_squeeze %dma_wait3A_470 : memref<1x128xi32, #tpu.memory_space<vmem>> -> memref<128xi32, #tpu.memory_space<vmem>>
    %dma_wait3A_472 = arith.constant 0 : i32
    %dma_wait3A_473 = arith.constant 0 : i32
    %dma_wait3A_474 = tpu.memref_slice %arg8[%dma_wait3A_472, %dma_wait3A_473] : memref<32x16xf32, #tpu.memory_space<vmem_shared>> -> memref<32x16xf32, #tpu.memory_space<vmem_shared>>
    tpu.wait_indirect_dma semaphore(%arg9 : memref<!tpu.dma_semaphore, #tpu.memory_space<semaphore_mem>>) src(%dma_wait3A_468 : memref<128x16xf32, #tpu.memory_space<vmem>>) dst(%dma_wait3A_474 : memref<32x16xf32, #tpu.memory_space<vmem_shared>>)
    %dma_wait3A_475 = arith.constant 12 : i32
    %dma_wait3A_476 = arith.constant 1536 : i32
    %dma_wait3A_477 = arith.constant 0 : i32
    %dma_wait3A_478 = tpu.memref_slice %arg5[%dma_wait3A_476, %dma_wait3A_477] : memref<2048x16xf32, #tpu.memory_space<vmem>> -> memref<128x16xf32, #tpu.memory_space<vmem>>
    %dma_wait3A_479 = arith.constant 0 : i32
    %dma_wait3A_480 = tpu.memref_slice %arg6[%dma_wait3A_475, %dma_wait3A_479] : memref<16x128xi32, #tpu.memory_space<vmem>> -> memref<1x128xi32, #tpu.memory_space<vmem>>
    %dma_wait3A_481 = tpu.memref_squeeze %dma_wait3A_480 : memref<1x128xi32, #tpu.memory_space<vmem>> -> memref<128xi32, #tpu.memory_space<vmem>>
    %dma_wait3A_482 = arith.constant 0 : i32
    %dma_wait3A_483 = arith.constant 0 : i32
    %dma_wait3A_484 = tpu.memref_slice %arg8[%dma_wait3A_482, %dma_wait3A_483] : memref<32x16xf32, #tpu.memory_space<vmem_shared>> -> memref<32x16xf32, #tpu.memory_space<vmem_shared>>
    tpu.wait_indirect_dma semaphore(%arg9 : memref<!tpu.dma_semaphore, #tpu.memory_space<semaphore_mem>>) src(%dma_wait3A_478 : memref<128x16xf32, #tpu.memory_space<vmem>>) dst(%dma_wait3A_484 : memref<32x16xf32, #tpu.memory_space<vmem_shared>>)
    %dma_wait3A_485 = arith.constant 13 : i32
    %dma_wait3A_486 = arith.constant 1664 : i32
    %dma_wait3A_487 = arith.constant 0 : i32
    %dma_wait3A_488 = tpu.memref_slice %arg5[%dma_wait3A_486, %dma_wait3A_487] : memref<2048x16xf32, #tpu.memory_space<vmem>> -> memref<128x16xf32, #tpu.memory_space<vmem>>
    %dma_wait3A_489 = arith.constant 0 : i32
    %dma_wait3A_490 = tpu.memref_slice %arg6[%dma_wait3A_485, %dma_wait3A_489] : memref<16x128xi32, #tpu.memory_space<vmem>> -> memref<1x128xi32, #tpu.memory_space<vmem>>
    %dma_wait3A_491 = tpu.memref_squeeze %dma_wait3A_490 : memref<1x128xi32, #tpu.memory_space<vmem>> -> memref<128xi32, #tpu.memory_space<vmem>>
    %dma_wait3A_492 = arith.constant 0 : i32
    %dma_wait3A_493 = arith.constant 0 : i32
    %dma_wait3A_494 = tpu.memref_slice %arg8[%dma_wait3A_492, %dma_wait3A_493] : memref<32x16xf32, #tpu.memory_space<vmem_shared>> -> memref<32x16xf32, #tpu.memory_space<vmem_shared>>
    tpu.wait_indirect_dma semaphore(%arg9 : memref<!tpu.dma_semaphore, #tpu.memory_space<semaphore_mem>>) src(%dma_wait3A_488 : memref<128x16xf32, #tpu.memory_space<vmem>>) dst(%dma_wait3A_494 : memref<32x16xf32, #tpu.memory_space<vmem_shared>>)
    %dma_wait3A_495 = arith.constant 14 : i32
    %dma_wait3A_496 = arith.constant 1792 : i32
    %dma_wait3A_497 = arith.constant 0 : i32
    %dma_wait3A_498 = tpu.memref_slice %arg5[%dma_wait3A_496, %dma_wait3A_497] : memref<2048x16xf32, #tpu.memory_space<vmem>> -> memref<128x16xf32, #tpu.memory_space<vmem>>
    %dma_wait3A_499 = arith.constant 0 : i32
    %dma_wait3A_500 = tpu.memref_slice %arg6[%dma_wait3A_495, %dma_wait3A_499] : memref<16x128xi32, #tpu.memory_space<vmem>> -> memref<1x128xi32, #tpu.memory_space<vmem>>
    %dma_wait3A_501 = tpu.memref_squeeze %dma_wait3A_500 : memref<1x128xi32, #tpu.memory_space<vmem>> -> memref<128xi32, #tpu.memory_space<vmem>>
    %dma_wait3A_502 = arith.constant 0 : i32
    %dma_wait3A_503 = arith.constant 0 : i32
    %dma_wait3A_504 = tpu.memref_slice %arg8[%dma_wait3A_502, %dma_wait3A_503] : memref<32x16xf32, #tpu.memory_space<vmem_shared>> -> memref<32x16xf32, #tpu.memory_space<vmem_shared>>
    tpu.wait_indirect_dma semaphore(%arg9 : memref<!tpu.dma_semaphore, #tpu.memory_space<semaphore_mem>>) src(%dma_wait3A_498 : memref<128x16xf32, #tpu.memory_space<vmem>>) dst(%dma_wait3A_504 : memref<32x16xf32, #tpu.memory_space<vmem_shared>>)
    %dma_wait3A_505 = arith.constant 15 : i32
    %dma_wait3A_506 = arith.constant 1920 : i32
    %dma_wait3A_507 = arith.constant 0 : i32
    %dma_wait3A_508 = tpu.memref_slice %arg5[%dma_wait3A_506, %dma_wait3A_507] : memref<2048x16xf32, #tpu.memory_space<vmem>> -> memref<128x16xf32, #tpu.memory_space<vmem>>
    %dma_wait3A_509 = arith.constant 0 : i32
    %dma_wait3A_510 = tpu.memref_slice %arg6[%dma_wait3A_505, %dma_wait3A_509] : memref<16x128xi32, #tpu.memory_space<vmem>> -> memref<1x128xi32, #tpu.memory_space<vmem>>
    %dma_wait3A_511 = tpu.memref_squeeze %dma_wait3A_510 : memref<1x128xi32, #tpu.memory_space<vmem>> -> memref<128xi32, #tpu.memory_space<vmem>>
    %dma_wait3A_512 = arith.constant 0 : i32
    %dma_wait3A_513 = arith.constant 0 : i32
    %dma_wait3A_514 = tpu.memref_slice %arg8[%dma_wait3A_512, %dma_wait3A_513] : memref<32x16xf32, #tpu.memory_space<vmem_shared>> -> memref<32x16xf32, #tpu.memory_space<vmem_shared>>
    tpu.wait_indirect_dma semaphore(%arg9 : memref<!tpu.dma_semaphore, #tpu.memory_space<semaphore_mem>>) src(%dma_wait3A_508 : memref<128x16xf32, #tpu.memory_space<vmem>>) dst(%dma_wait3A_514 : memref<32x16xf32, #tpu.memory_space<vmem_shared>>)
    %barrier3A_515 = arith.constant 0 : index
    tpu.barrier barrier_id(%barrier3A_515)
    %eq3A_516 = arith.constant 0 : i32
    %eq3A_517 = arith.cmpi eq, %arg1, %eq3A_516 : i32
    %convert_element_type3A_518 = arith.extui %eq3A_517 : i1 to i32
    %cond3A_519 = arith.constant 0 : i32
    %cond3A_520 = arith.cmpi ne, %convert_element_type3A_518, %cond3A_519 : i32
    scf.if %cond3A_520 {
      %mul3A_521 = arith.constant 32 : i32
      %mul3A_522 = arith.muli %arg0, %mul3A_521 : i32
      "tpu.region"() ({
        %run_scoped3A = tpu.sem_alloc : memref<!tpu.dma_semaphore, #tpu.memory_space<semaphore_mem>>
        %dma_start3A_523 = arith.constant 0 : i32
        %dma_start3A_524 = tpu.memref_slice %arg4[%mul3A_522, %dma_start3A_523] : memref<64x16xf32, #tpu.memory_space<hbm>> -> memref<32x16xf32, #tpu.memory_space<hbm>>
        tpu.enqueue_dma source(%arg8 : memref<32x16xf32, #tpu.memory_space<vmem_shared>>) target(%dma_start3A_524 : memref<32x16xf32, #tpu.memory_space<hbm>>) target_semaphore(%run_scoped3A : memref<!tpu.dma_semaphore, #tpu.memory_space<semaphore_mem>>)
        %dma_wait3A_525 = arith.constant 0 : i32
        %dma_wait3A_526 = tpu.memref_slice %arg4[%mul3A_522, %dma_wait3A_525] : memref<64x16xf32, #tpu.memory_space<hbm>> -> memref<32x16xf32, #tpu.memory_space<hbm>>
        tpu.wait_dma2 semaphore(%run_scoped3A : memref<!tpu.dma_semaphore, #tpu.memory_space<semaphore_mem>>) src(%arg8 : memref<32x16xf32, #tpu.memory_space<vmem_shared>>) dst(%dma_wait3A_526 : memref<32x16xf32, #tpu.memory_space<hbm>>)
        tpu.yield
      }) : () -> ()
    } else {
    }
    return
  }
}

module attributes {stable_mosaic.version = 14 : i64} {
  func.func @_loss_kernel(%arg0: i32, %arg1: i32, %arg2: memref<16x16384xf32, #tpu.memory_space<vmem>>, %arg3: memref<2x16384xf32, #tpu.memory_space<vmem>>, %arg4: memref<1x16384xi32, #tpu.memory_space<vmem>>, %arg5: memref<64x16xf32, #tpu.memory_space<vmem>>, %arg6: memref<1x1xf32, #tpu.memory_space<vmem>>, %arg7: memref<1x1xf32, #tpu.memory_space<vmem>>, %arg8: memref<1x1xf32, #tpu.memory_space<vmem>>, %arg9: memref<1x1xf32, #tpu.memory_space<vmem>>, %arg10: memref<1x1xf32, #tpu.memory_space<vmem>>, %arg11: memref<1x1xf32, #tpu.memory_space<vmem>>, %arg12: memref<32x3xf32, #tpu.memory_space<vmem>>, %arg13: memref<32x16xf32, #tpu.memory_space<vmem>>, %arg14: memref<32x1xf32, #tpu.memory_space<vmem>>, %arg15: memref<32x1xf32, #tpu.memory_space<vmem>>, %arg16: memref<8x16384xf32, #tpu.memory_space<vmem>>, %arg17: memref<1x16384xf32, #tpu.memory_space<vmem>>) attributes {dimension_semantics = [#tpu.dimension_semantics<arbitrary>, #tpu.dimension_semantics<arbitrary>], iteration_bounds = array<i64: 2, 4>, scalar_prefetch = 0 : i64, scratch_operands = 6 : i64, tpu.core_type = #tpu.core_type<tc>, window_params = [{transform_indices = @transform_0, window_bounds = array<i64: 16, 16384>}, {transform_indices = @transform_1, window_bounds = array<i64: 2, 16384>}, {transform_indices = @transform_2, window_bounds = array<i64: 1, 16384>}, {pipeline_mode = #tpu.pipeline_mode<synchronous>, transform_indices = @transform_3, window_bounds = array<i64: 64, 16>}, {pipeline_mode = #tpu.pipeline_mode<synchronous>, transform_indices = @transform_4, window_bounds = array<i64: 1, 1>}, {pipeline_mode = #tpu.pipeline_mode<synchronous>, transform_indices = @transform_5, window_bounds = array<i64: 1, 1>}, {pipeline_mode = #tpu.pipeline_mode<synchronous>, transform_indices = @transform_6, window_bounds = array<i64: 1, 1>}, {pipeline_mode = #tpu.pipeline_mode<synchronous>, transform_indices = @transform_7, window_bounds = array<i64: 1, 1>}, {pipeline_mode = #tpu.pipeline_mode<synchronous>, transform_indices = @transform_8, window_bounds = array<i64: 1, 1>}, {pipeline_mode = #tpu.pipeline_mode<synchronous>, transform_indices = @transform_9, window_bounds = array<i64: 1, 1>}]} {
    %get3A = arith.constant 0 : index
    %get3A_0 = arith.constant 0 : index
    %get3A_1 = vector.load %arg4[%get3A, %get3A_0] : memref<1x16384xi32, #tpu.memory_space<vmem>>, vector<1x16384xi32>
    %iota3A = tpu.iota {dimensions = array<i32: 0>} : vector<32x16384xi32>
    %eq3A = vector.broadcast %get3A_1 : vector<1x16384xi32> to vector<32x16384xi32>
    %eq3A_2 = arith.cmpi eq, %iota3A, %eq3A : vector<32x16384xi32>
    %eq3A_3 = arith.constant 0 : i32
    %eq3A_4 = arith.cmpi eq, %arg0, %eq3A_3 : i32
    %eq3A_5 = arith.constant 0 : i32
    %eq3A_6 = arith.cmpi eq, %arg1, %eq3A_5 : i32
    %and3A = arith.andi %eq3A_4, %eq3A_6 : i1
    %convert_element_type3A = arith.extui %and3A : i1 to i32
    %cond3A = arith.constant 0 : i32
    %cond3A_7 = arith.cmpi ne, %convert_element_type3A, %cond3A : i32
    scf.if %cond3A_7 {
      %broadcast_in_dim3A = arith.constant 0.000000e+00 : f32
      %broadcast_in_dim3A_34 = vector.broadcast %broadcast_in_dim3A : f32 to vector<32x3xf32>
      %swap3A = arith.constant 0 : index
      %swap3A_35 = arith.constant 0 : index
      %swap3A_36 = vector.load %arg12[%swap3A, %swap3A_35] : memref<32x3xf32, #tpu.memory_space<vmem>>, vector<32x3xf32>
      tpu.vector_store %arg12[%swap3A, %swap3A_35], %broadcast_in_dim3A_34 {strides = array<i32>} : memref<32x3xf32, #tpu.memory_space<vmem>>, vector<32x3xf32>,
    } else {
    }
    %eq3A_8 = arith.constant 0 : i32
    %eq3A_9 = arith.cmpi eq, %arg0, %eq3A_8 : i32
    %convert_element_type3A_10 = arith.extui %eq3A_9 : i1 to i32
    %cond3A_11 = arith.constant 0 : i32
    %cond3A_12 = arith.cmpi ne, %convert_element_type3A_10, %cond3A_11 : i32
    scf.if %cond3A_12 {
      %get3A_34 = arith.constant 1 : index
      %get3A_35 = arith.constant 0 : index
      %get3A_36 = vector.load %arg3[%get3A_34, %get3A_35] : memref<2x16384xf32, #tpu.memory_space<vmem>>, vector<1x16384xf32>
      %exp3A = math.exp %get3A_36 : vector<1x16384xf32>
      %broadcast_in_dim3A = arith.constant 1.000000e+00 : f32
      %broadcast_in_dim3A_37 = vector.broadcast %broadcast_in_dim3A : f32 to vector<1x16384xf32>
      %mul3A = arith.mulf %exp3A, %exp3A : vector<1x16384xf32>
      %concatenate3A = tpu.concatenate %broadcast_in_dim3A_37, %exp3A, %mul3A in 0 : vector<1x16384xf32>, vector<1x16384xf32>, vector<1x16384xf32> -> vector<3x16384xf32>
      %convert_element_type3A_38 = arith.extui %eq3A_2 : vector<32x16384xi1> to vector<32x16384xi32>
      %convert_element_type3A_39 = arith.sitofp %convert_element_type3A_38 : vector<32x16384xi32> to vector<32x16384xf32>
      %get3A_40 = arith.constant 0 : index
      %get3A_41 = arith.constant 0 : index
      %get3A_42 = vector.load %arg12[%get3A_40, %get3A_41] : memref<32x3xf32, #tpu.memory_space<vmem>>, vector<32x3xf32>
      %dot_general3A = arith.constant dense<0.000000e+00> : vector<32x3xf32>
      %dot_general3A_43 = tpu.matmul %convert_element_type3A_39, %concatenate3A, %dot_general3A {dimension_numbers = #tpu.dot_dimension_numbers<[1], [1], [0], [0], [0, 0, 1, 0], [], []>, transpose_lhs_hint = false} : vector<32x16384xf32>, vector<3x16384xf32>, vector<32x3xf32> -> vector<32x3xf32>
      %add3A = arith.addf %get3A_42, %dot_general3A_43 : vector<32x3xf32>
      %swap3A = arith.constant 0 : index
      %swap3A_44 = arith.constant 0 : index
      %swap3A_45 = vector.load %arg12[%swap3A, %swap3A_44] : memref<32x3xf32, #tpu.memory_space<vmem>>, vector<32x3xf32>
      tpu.vector_store %arg12[%swap3A, %swap3A_44], %add3A {strides = array<i32>} : memref<32x3xf32, #tpu.memory_space<vmem>>, vector<32x3xf32>,
    } else {
    }
    %eq3A_13 = arith.constant 1 : i32
    %eq3A_14 = arith.cmpi eq, %arg0, %eq3A_13 : i32
    %eq3A_15 = arith.constant 0 : i32
    %eq3A_16 = arith.cmpi eq, %arg1, %eq3A_15 : i32
    %and3A_17 = arith.andi %eq3A_14, %eq3A_16 : i1
    %convert_element_type3A_18 = arith.extui %and3A_17 : i1 to i32
    %cond3A_19 = arith.constant 0 : i32
    %cond3A_20 = arith.cmpi ne, %convert_element_type3A_18, %cond3A_19 : i32
    scf.if %cond3A_20 {
      %get3A_34 = arith.constant 0 : index
      %get3A_35 = arith.constant 0 : index
      %get3A_36 = vector.load %arg12[%get3A_34, %get3A_35] : memref<32x3xf32, #tpu.memory_space<vmem>>, vector<32x1xf32>
      %get3A_37 = arith.constant 0 : index
      %get3A_38 = arith.constant 0 : index
      %get3A_39 = vector.load %arg5[%get3A_37, %get3A_38] : memref<64x16xf32, #tpu.memory_space<vmem>>, vector<32x16xf32>
      %get3A_40 = arith.constant 32 : index
      %get3A_41 = arith.constant 0 : index
      %get3A_42 = vector.load %arg5[%get3A_40, %get3A_41] : memref<64x16xf32, #tpu.memory_space<vmem>>, vector<32x16xf32>
      %add3A = arith.addf %get3A_39, %get3A_42 : vector<32x16xf32>
      %div3A = vector.broadcast %get3A_36 : vector<32x1xf32> to vector<32x16xf32>
      %div3A_43 = arith.divf %add3A, %div3A : vector<32x16xf32>
      %swap3A = arith.constant 0 : index
      %swap3A_44 = arith.constant 0 : index
      %swap3A_45 = vector.load %arg13[%swap3A, %swap3A_44] : memref<32x16xf32, #tpu.memory_space<vmem>>, vector<32x16xf32>
      tpu.vector_store %arg13[%swap3A, %swap3A_44], %div3A_43 {strides = array<i32>} : memref<32x16xf32, #tpu.memory_space<vmem>>, vector<32x16xf32>,
      %mul3A = arith.mulf %div3A_43, %div3A_43 : vector<32x16xf32>
      %reduce_sum3A = arith.constant dense<0.000000e+00> : vector<32xf32>
      %reduce_sum3A_46 = vector.multi_reduction <add>, %mul3A, %reduce_sum3A [1] : vector<32x16xf32> to vector<32xf32>
      %broadcast_in_dim3A = vector.shape_cast %reduce_sum3A_46 : vector<32xf32> to vector<32x1xf32>
      %swap3A_47 = arith.constant 0 : index
      %swap3A_48 = arith.constant 0 : index
      %swap3A_49 = vector.load %arg14[%swap3A_47, %swap3A_48] : memref<32x1xf32, #tpu.memory_space<vmem>>, vector<32x1xf32>
      tpu.vector_store %arg14[%swap3A_47, %swap3A_48], %broadcast_in_dim3A {strides = array<i32>} : memref<32x1xf32, #tpu.memory_space<vmem>>, vector<32x1xf32>,
      %get3A_50 = arith.constant 0 : index
      %get3A_51 = arith.constant 1 : index
      %get3A_52 = vector.load %arg12[%get3A_50, %get3A_51] : memref<32x3xf32, #tpu.memory_space<vmem>>, vector<32x1xf32>
      %div3A_53 = arith.divf %get3A_52, %get3A_36 : vector<32x1xf32>
      %div3A_54 = arith.constant 5.000000e-01 : f32
      %div3A_55 = vector.broadcast %div3A_54 : f32 to vector<32x1xf32>
      %div3A_56 = arith.divf %div3A_55, %div3A_53 : vector<32x1xf32>
      %swap3A_57 = arith.constant 0 : index
      %swap3A_58 = arith.constant 0 : index
      %swap3A_59 = vector.load %arg15[%swap3A_57, %swap3A_58] : memref<32x1xf32, #tpu.memory_space<vmem>>, vector<32x1xf32>
      tpu.vector_store %arg15[%swap3A_57, %swap3A_58], %div3A_56 {strides = array<i32>} : memref<32x1xf32, #tpu.memory_space<vmem>>, vector<32x1xf32>,
    } else {
    }
    %eq3A_21 = arith.constant 1 : i32
    %eq3A_22 = arith.cmpi eq, %arg0, %eq3A_21 : i32
    %convert_element_type3A_23 = arith.extui %eq3A_22 : i1 to i32
    %cond3A_24 = arith.constant 0 : i32
    %cond3A_25 = arith.cmpi ne, %convert_element_type3A_23, %cond3A_24 : i32
    scf.if %cond3A_25 {
      %get3A_34 = arith.constant 0 : index
      %get3A_35 = arith.constant 0 : index
      %get3A_36 = vector.load %arg2[%get3A_34, %get3A_35] : memref<16x16384xf32, #tpu.memory_space<vmem>>, vector<16x16384xf32>
      %get3A_37 = arith.constant 0 : index
      %get3A_38 = arith.constant 0 : index
      %get3A_39 = vector.load %arg13[%get3A_37, %get3A_38] : memref<32x16xf32, #tpu.memory_space<vmem>>, vector<32x16xf32>
      %dot_general3A = arith.constant dense<0.000000e+00> : vector<32x16384xf32>
      %dot_general3A_40 = tpu.matmul %get3A_39, %get3A_36, %dot_general3A {dimension_numbers = #tpu.dot_dimension_numbers<[1], [0], [0], [1], [0, 0, 1, 1], [], []>, transpose_lhs_hint = false} : vector<32x16xf32>, vector<16x16384xf32>, vector<32x16384xf32> -> vector<32x16384xf32>
      %mul3A = arith.mulf %get3A_36, %get3A_36 : vector<16x16384xf32>
      %broadcast_in_dim3A = arith.constant 1.000000e+00 : f32
      %broadcast_in_dim3A_41 = vector.broadcast %broadcast_in_dim3A : f32 to vector<1x16xf32>
      %dot_general3A_42 = arith.constant dense<0.000000e+00> : vector<1x16384xf32>
      %dot_general3A_43 = tpu.matmul %broadcast_in_dim3A_41, %mul3A, %dot_general3A_42 {dimension_numbers = #tpu.dot_dimension_numbers<[1], [0], [0], [1], [0, 0, 1, 1], [], []>, transpose_lhs_hint = false} : vector<1x16xf32>, vector<16x16384xf32>, vector<1x16384xf32> -> vector<1x16384xf32>
      %mul3A_44 = arith.constant 2.000000e+00 : f32
      %mul3A_45 = vector.broadcast %mul3A_44 : f32 to vector<32x16384xf32>
      %mul3A_46 = arith.mulf %mul3A_45, %dot_general3A_40 : vector<32x16384xf32>
      %sub3A = vector.broadcast %dot_general3A_43 : vector<1x16384xf32> to vector<32x16384xf32>
      %sub3A_47 = arith.subf %sub3A, %mul3A_46 : vector<32x16384xf32>
      %get3A_48 = arith.constant 0 : index
      %get3A_49 = arith.constant 0 : index
      %get3A_50 = vector.load %arg14[%get3A_48, %get3A_49] : memref<32x1xf32, #tpu.memory_space<vmem>>, vector<32x1xf32>
      %add3A = vector.broadcast %get3A_50 : vector<32x1xf32> to vector<32x16384xf32>
      %add3A_51 = arith.addf %sub3A_47, %add3A : vector<32x16384xf32>
      %max3A = arith.constant 0.000000e+00 : f32
      %max3A_52 = vector.broadcast %max3A : f32 to vector<32x16384xf32>
      %max3A_53 = arith.maximumf %add3A_51, %max3A_52 : vector<32x16384xf32>
      %get3A_54 = arith.constant 0 : index
      %get3A_55 = arith.constant 0 : index
      %get3A_56 = vector.load %arg15[%get3A_54, %get3A_55] : memref<32x1xf32, #tpu.memory_space<vmem>>, vector<32x1xf32>
      %mul3A_57 = vector.broadcast %get3A_56 : vector<32x1xf32> to vector<32x16384xf32>
      %mul3A_58 = arith.mulf %max3A_53, %mul3A_57 : vector<32x16384xf32>
      %neg3A = arith.constant 0.000000e+00 : f32
      %neg3A_59 = vector.broadcast %neg3A : f32 to vector<32x16384xf32>
      %neg3A_60 = arith.subf %neg3A_59, %mul3A_58 : vector<32x16384xf32>
      %exp3A = math.exp %neg3A_60 : vector<32x16384xf32>
      %min3A = arith.constant 1.000000e+00 : f32
      %min3A_61 = vector.broadcast %min3A : f32 to vector<32x16384xf32>
      %min3A_62 = arith.minimumf %exp3A, %min3A_61 : vector<32x16384xf32>
      %neg3A_63 = arith.constant 0.000000e+00 : f32
      %neg3A_64 = vector.broadcast %neg3A_63 : f32 to vector<32x16384xf32>
      %neg3A_65 = arith.subf %neg3A_64, %min3A_62 : vector<32x16384xf32>
      %log1p3A = math.log1p %neg3A_65 : vector<32x16384xf32>
      %slice3A = vector.extract_strided_slice %log1p3A {offsets = [0, 0], sizes = [8, 16384], strides = [1, 1]} : vector<32x16384xf32> to vector<8x16384xf32>
      %slice3A_66 = vector.extract_strided_slice %log1p3A {offsets = [8, 0], sizes = [8, 16384], strides = [1, 1]} : vector<32x16384xf32> to vector<8x16384xf32>
      %add3A_67 = arith.addf %slice3A, %slice3A_66 : vector<8x16384xf32>
      %slice3A_68 = vector.extract_strided_slice %log1p3A {offsets = [16, 0], sizes = [8, 16384], strides = [1, 1]} : vector<32x16384xf32> to vector<8x16384xf32>
      %add3A_69 = arith.addf %add3A_67, %slice3A_68 : vector<8x16384xf32>
      %slice3A_70 = vector.extract_strided_slice %log1p3A {offsets = [24, 0], sizes = [8, 16384], strides = [1, 1]} : vector<32x16384xf32> to vector<8x16384xf32>
      %add3A_71 = arith.addf %add3A_69, %slice3A_70 : vector<8x16384xf32>
      %jit3A = arith.constant 0.000000e+00 : f32
      %broadcast_in_dim3A_72 = vector.broadcast %jit3A : f32 to vector<32x16384xf32>
      %select_n3A = arith.select %eq3A_2, %exp3A, %broadcast_in_dim3A_72 : vector<32x16384xi1>, vector<32x16384xf32>
      %reduce_sum3A = arith.constant dense<0.000000e+00> : vector<16384xf32>
      %reduce_sum3A_73 = vector.multi_reduction <add>, %select_n3A, %reduce_sum3A [0] : vector<32x16384xf32> to vector<16384xf32>
      %broadcast_in_dim3A_74 = vector.shape_cast %reduce_sum3A_73 : vector<16384xf32> to vector<1x16384xf32>
      %log3A = math.log %broadcast_in_dim3A_74 : vector<1x16384xf32>
      %max3A_75 = arith.constant -27.6310215 : f32
      %max3A_76 = vector.broadcast %max3A_75 : f32 to vector<1x16384xf32>
      %max3A_77 = arith.maximumf %log3A, %max3A_76 : vector<1x16384xf32>
      %min3A_78 = arith.constant 1.000000e+00 : f32
      %min3A_79 = vector.broadcast %min3A_78 : f32 to vector<1x16384xf32>
      %min3A_80 = arith.minimumf %broadcast_in_dim3A_74, %min3A_79 : vector<1x16384xf32>
      %neg3A_81 = arith.constant 0.000000e+00 : f32
      %neg3A_82 = vector.broadcast %neg3A_81 : f32 to vector<1x16384xf32>
      %neg3A_83 = arith.subf %neg3A_82, %min3A_80 : vector<1x16384xf32>
      %log1p3A_84 = math.log1p %neg3A_83 : vector<1x16384xf32>
      %ne3A = arith.constant 0 : i32
      %ne3A_85 = arith.cmpi ne, %arg1, %ne3A : i32
      %get3A_86 = arith.constant 0 : index
      %get3A_87 = arith.constant 0 : index
      %get3A_88 = vector.load %arg16[%get3A_86, %get3A_87] : memref<8x16384xf32, #tpu.memory_space<vmem>>, vector<8x16384xf32>
      %jit3A_89 = arith.constant 0.000000e+00 : f32
      %broadcast_in_dim3A_90 = vector.broadcast %jit3A_89 : f32 to vector<8x16384xf32>
      %select_n3A_91 = arith.select %ne3A_85, %get3A_88, %broadcast_in_dim3A_90 : vector<8x16384xf32>
      %add3A_92 = arith.addf %select_n3A_91, %add3A_71 : vector<8x16384xf32>
      %swap3A = arith.constant 0 : index
      %swap3A_93 = arith.constant 0 : index
      %swap3A_94 = vector.load %arg16[%swap3A, %swap3A_93] : memref<8x16384xf32, #tpu.memory_space<vmem>>, vector<8x16384xf32>
      tpu.vector_store %arg16[%swap3A, %swap3A_93], %add3A_92 {strides = array<i32>} : memref<8x16384xf32, #tpu.memory_space<vmem>>, vector<8x16384xf32>,
      %get3A_95 = arith.constant 0 : index
      %get3A_96 = arith.constant 0 : index
      %get3A_97 = vector.load %arg16[%get3A_95, %get3A_96] : memref<8x16384xf32, #tpu.memory_space<vmem>>, vector<1x16384xf32>
      %sub3A_98 = arith.subf %max3A_77, %log1p3A_84 : vector<1x16384xf32>
      %add3A_99 = arith.addf %get3A_97, %sub3A_98 : vector<1x16384xf32>
      %swap3A_100 = arith.constant 0 : index
      %swap3A_101 = arith.constant 0 : index
      %swap3A_102 = vector.load %arg16[%swap3A_100, %swap3A_101] : memref<8x16384xf32, #tpu.memory_space<vmem>>, vector<1x16384xf32>
      tpu.vector_store %arg16[%swap3A_100, %swap3A_101], %add3A_99 {strides = array<i32>} : memref<8x16384xf32, #tpu.memory_space<vmem>>, vector<1x16384xf32>,
      %get3A_103 = arith.constant 0 : index
      %get3A_104 = arith.constant 0 : index
      %get3A_105 = vector.load %arg3[%get3A_103, %get3A_104] : memref<2x16384xf32, #tpu.memory_space<vmem>>, vector<1x16384xf32>
      %sub3A_106 = arith.subf %broadcast_in_dim3A_74, %get3A_105 : vector<1x16384xf32>
      %get3A_107 = arith.constant 0 : index
      %get3A_108 = arith.constant 0 : index
      %get3A_109 = vector.load %arg17[%get3A_107, %get3A_108] : memref<1x16384xf32, #tpu.memory_space<vmem>>, vector<1x16384xf32>
      %jit3A_110 = arith.constant 0.000000e+00 : f32
      %broadcast_in_dim3A_111 = vector.broadcast %jit3A_110 : f32 to vector<1x16384xf32>
      %select_n3A_112 = arith.select %ne3A_85, %get3A_109, %broadcast_in_dim3A_111 : vector<1x16384xf32>
      %mul3A_113 = arith.mulf %sub3A_106, %sub3A_106 : vector<1x16384xf32>
      %add3A_114 = arith.addf %select_n3A_112, %mul3A_113 : vector<1x16384xf32>
      %swap3A_115 = arith.constant 0 : index
      %swap3A_116 = arith.constant 0 : index
      %swap3A_117 = vector.load %arg17[%swap3A_115, %swap3A_116] : memref<1x16384xf32, #tpu.memory_space<vmem>>, vector<1x16384xf32>
      tpu.vector_store %arg17[%swap3A_115, %swap3A_116], %add3A_114 {strides = array<i32>} : memref<1x16384xf32, #tpu.memory_space<vmem>>, vector<1x16384xf32>,
    } else {
    }
    %eq3A_26 = arith.constant 1 : i32
    %eq3A_27 = arith.cmpi eq, %arg0, %eq3A_26 : i32
    %eq3A_28 = arith.constant 3 : i32
    %eq3A_29 = arith.cmpi eq, %arg1, %eq3A_28 : i32
    %and3A_30 = arith.andi %eq3A_27, %eq3A_29 : i1
    %convert_element_type3A_31 = arith.extui %and3A_30 : i1 to i32
    %cond3A_32 = arith.constant 0 : i32
    %cond3A_33 = arith.cmpi ne, %convert_element_type3A_31, %cond3A_32 : i32
    scf.if %cond3A_33 {
      %get3A_34 = arith.constant 0 : index
      %get3A_35 = arith.constant 0 : index
      %get3A_36 = vector.load %arg12[%get3A_34, %get3A_35] : memref<32x3xf32, #tpu.memory_space<vmem>>, vector<32x1xf32>
      %get3A_37 = arith.constant 0 : index
      %get3A_38 = arith.constant 0 : index
      %get3A_39 = vector.load %arg13[%get3A_37, %get3A_38] : memref<32x16xf32, #tpu.memory_space<vmem>>, vector<32x16xf32>
      %get3A_40 = arith.constant 0 : index
      %get3A_41 = arith.constant 0 : index
      %get3A_42 = vector.load %arg14[%get3A_40, %get3A_41] : memref<32x1xf32, #tpu.memory_space<vmem>>, vector<32x1xf32>
      %mul3A = arith.mulf %get3A_39, %get3A_39 : vector<32x16xf32>
      %broadcast_in_dim3A = arith.constant 1.000000e+00 : f32
      %broadcast_in_dim3A_43 = vector.broadcast %broadcast_in_dim3A : f32 to vector<1x16xf32>
      %dot_general3A = arith.constant dense<0.000000e+00> : vector<1x32xf32>
      %dot_general3A_44 = tpu.matmul %broadcast_in_dim3A_43, %mul3A, %dot_general3A {dimension_numbers = #tpu.dot_dimension_numbers<[1], [1], [0], [0], [0, 0, 1, 0], [], []>, transpose_lhs_hint = false} : vector<1x16xf32>, vector<32x16xf32>, vector<1x32xf32> -> vector<1x32xf32>
      %dot_general3A_45 = arith.constant dense<0.000000e+00> : vector<32x32xf32>
      %dot_general3A_46 = tpu.matmul %get3A_39, %get3A_39, %dot_general3A_45 {dimension_numbers = #tpu.dot_dimension_numbers<[1], [1], [0], [0], [0, 0, 1, 0], [], []>, transpose_lhs_hint = false} : vector<32x16xf32>, vector<32x16xf32>, vector<32x32xf32> -> vector<32x32xf32>
      %iota3A_47 = tpu.iota {dimensions = array<i32: 0>} : vector<32x32xi32>
      %iota3A_48 = tpu.iota {dimensions = array<i32: 1>} : vector<32x32xi32>
      %eq3A_49 = arith.cmpi eq, %iota3A_47, %iota3A_48 : vector<32x32xi32>
      %convert_element_type3A_50 = arith.extui %eq3A_49 : vector<32x32xi1> to vector<32x32xi32>
      %convert_element_type3A_51 = arith.sitofp %convert_element_type3A_50 : vector<32x32xi32> to vector<32x32xf32>
      %add3A = vector.broadcast %get3A_42 : vector<32x1xf32> to vector<32x32xf32>
      %add3A_52 = vector.broadcast %dot_general3A_44 : vector<1x32xf32> to vector<32x32xf32>
      %add3A_53 = arith.addf %add3A, %add3A_52 : vector<32x32xf32>
      %mul3A_54 = arith.constant 2.000000e+00 : f32
      %mul3A_55 = vector.broadcast %mul3A_54 : f32 to vector<32x32xf32>
      %mul3A_56 = arith.mulf %mul3A_55, %dot_general3A_46 : vector<32x32xf32>
      %sub3A = arith.subf %add3A_53, %mul3A_56 : vector<32x32xf32>
      %max3A = arith.constant 0.000000e+00 : f32
      %max3A_57 = vector.broadcast %max3A : f32 to vector<32x32xf32>
      %max3A_58 = arith.maximumf %sub3A, %max3A_57 : vector<32x32xf32>
      %add3A_59 = arith.addf %max3A_58, %convert_element_type3A_51 : vector<32x32xf32>
      %sqrt3A = math.sqrt %add3A_59 : vector<32x32xf32>
      %sub3A_60 = arith.constant 3.000000e+00 : f32
      %sub3A_61 = vector.broadcast %sub3A_60 : f32 to vector<32x32xf32>
      %sub3A_62 = arith.subf %sub3A_61, %sqrt3A : vector<32x32xf32>
      %max3A_63 = arith.constant 0.000000e+00 : f32
      %max3A_64 = vector.broadcast %max3A_63 : f32 to vector<32x32xf32>
      %max3A_65 = arith.maximumf %sub3A_62, %max3A_64 : vector<32x32xf32>
      %mul3A_66 = arith.mulf %max3A_65, %max3A_65 : vector<32x32xf32>
      %sub3A_67 = arith.constant 1.000000e+00 : f32
      %sub3A_68 = vector.broadcast %sub3A_67 : f32 to vector<32x32xf32>
      %sub3A_69 = arith.subf %sub3A_68, %convert_element_type3A_51 : vector<32x32xf32>
      %mul3A_70 = arith.mulf %mul3A_66, %sub3A_69 : vector<32x32xf32>
      %reduce_sum3A = arith.constant dense<0.000000e+00> : vector<32xf32>
      %reduce_sum3A_71 = vector.multi_reduction <add>, %mul3A_70, %reduce_sum3A [0] : vector<32x32xf32> to vector<32xf32>
      %broadcast_in_dim3A_72 = vector.shape_cast %reduce_sum3A_71 : vector<32xf32> to vector<1x32xf32>
      %reduce_sum3A_73 = arith.constant dense<0.000000e+00> : vector<1xf32>
      %reduce_sum3A_74 = vector.multi_reduction <add>, %broadcast_in_dim3A_72, %reduce_sum3A_73 [1] : vector<1x32xf32> to vector<1xf32>
      %broadcast_in_dim3A_75 = vector.shape_cast %reduce_sum3A_74 : vector<1xf32> to vector<1x1xf32>
      %div3A = arith.constant 9.920000e+02 : f32
      %div3A_76 = vector.broadcast %div3A : f32 to vector<1x1xf32>
      %div3A_77 = arith.divf %broadcast_in_dim3A_75, %div3A_76 : vector<1x1xf32>
      %sqrt3A_78 = math.sqrt %get3A_42 : vector<32x1xf32>
      %reduce_sum3A_79 = arith.constant dense<0.000000e+00> : vector<1xf32>
      %reduce_sum3A_80 = vector.multi_reduction <add>, %sqrt3A_78, %reduce_sum3A_79 [0] : vector<32x1xf32> to vector<1xf32>
      %broadcast_in_dim3A_81 = vector.shape_cast %reduce_sum3A_80 : vector<1xf32> to vector<1x1xf32>
      %reduce_sum3A_82 = arith.constant dense<0.000000e+00> : vector<1xf32>
      %reduce_sum3A_83 = vector.multi_reduction <add>, %broadcast_in_dim3A_81, %reduce_sum3A_82 [1] : vector<1x1xf32> to vector<1xf32>
      %broadcast_in_dim3A_84 = vector.shape_cast %reduce_sum3A_83 : vector<1xf32> to vector<1x1xf32>
      %div3A_85 = arith.constant 3.200000e+01 : f32
      %div3A_86 = vector.broadcast %div3A_85 : f32 to vector<1x1xf32>
      %div3A_87 = arith.divf %broadcast_in_dim3A_84, %div3A_86 : vector<1x1xf32>
      %get3A_88 = arith.constant 0 : index
      %get3A_89 = arith.constant 1 : index
      %get3A_90 = vector.load %arg12[%get3A_88, %get3A_89] : memref<32x3xf32, #tpu.memory_space<vmem>>, vector<32x1xf32>
      %div3A_91 = arith.divf %get3A_90, %get3A_36 : vector<32x1xf32>
      %get3A_92 = arith.constant 0 : index
      %get3A_93 = arith.constant 2 : index
      %get3A_94 = vector.load %arg12[%get3A_92, %get3A_93] : memref<32x3xf32, #tpu.memory_space<vmem>>, vector<32x1xf32>
      %div3A_95 = arith.divf %get3A_94, %get3A_36 : vector<32x1xf32>
      %mul3A_96 = arith.mulf %div3A_91, %div3A_91 : vector<32x1xf32>
      %sub3A_97 = arith.subf %div3A_95, %mul3A_96 : vector<32x1xf32>
      %reduce_sum3A_98 = arith.constant dense<0.000000e+00> : vector<1xf32>
      %reduce_sum3A_99 = vector.multi_reduction <add>, %sub3A_97, %reduce_sum3A_98 [0] : vector<32x1xf32> to vector<1xf32>
      %broadcast_in_dim3A_100 = vector.shape_cast %reduce_sum3A_99 : vector<1xf32> to vector<1x1xf32>
      %reduce_sum3A_101 = arith.constant dense<0.000000e+00> : vector<1xf32>
      %reduce_sum3A_102 = vector.multi_reduction <add>, %broadcast_in_dim3A_100, %reduce_sum3A_101 [1] : vector<1x1xf32> to vector<1xf32>
      %broadcast_in_dim3A_103 = vector.shape_cast %reduce_sum3A_102 : vector<1xf32> to vector<1x1xf32>
      %div3A_104 = arith.constant 3.200000e+01 : f32
      %div3A_105 = vector.broadcast %div3A_104 : f32 to vector<1x1xf32>
      %div3A_106 = arith.divf %broadcast_in_dim3A_103, %div3A_105 : vector<1x1xf32>
      %get3A_107 = arith.constant 0 : index
      %get3A_108 = arith.constant 0 : index
      %get3A_109 = vector.load %arg16[%get3A_107, %get3A_108] : memref<8x16384xf32, #tpu.memory_space<vmem>>, vector<8x16384xf32>
      %reduce_sum3A_110 = arith.constant dense<0.000000e+00> : vector<16384xf32>
      %reduce_sum3A_111 = vector.multi_reduction <add>, %get3A_109, %reduce_sum3A_110 [0] : vector<8x16384xf32> to vector<16384xf32>
      %broadcast_in_dim3A_112 = vector.shape_cast %reduce_sum3A_111 : vector<16384xf32> to vector<1x16384xf32>
      %reduce_sum3A_113 = arith.constant dense<0.000000e+00> : vector<1xf32>
      %reduce_sum3A_114 = vector.multi_reduction <add>, %broadcast_in_dim3A_112, %reduce_sum3A_113 [1] : vector<1x16384xf32> to vector<1xf32>
      %broadcast_in_dim3A_115 = vector.shape_cast %reduce_sum3A_114 : vector<1xf32> to vector<1x1xf32>
      %neg3A = arith.constant 0.000000e+00 : f32
      %neg3A_116 = vector.broadcast %neg3A : f32 to vector<1x1xf32>
      %neg3A_117 = arith.subf %neg3A_116, %broadcast_in_dim3A_115 : vector<1x1xf32>
      %mul3A_118 = arith.constant 6.553600e+04 : f32
      %mul3A_119 = arith.constant 3.200000e+01 : f32
      %mul3A_120 = arith.mulf %mul3A_118, %mul3A_119 : f32
      %div3A_121 = vector.broadcast %mul3A_120 : f32 to vector<1x1xf32>
      %div3A_122 = arith.divf %neg3A_117, %div3A_121 : vector<1x1xf32>
      %get3A_123 = arith.constant 0 : index
      %get3A_124 = arith.constant 0 : index
      %get3A_125 = vector.load %arg17[%get3A_123, %get3A_124] : memref<1x16384xf32, #tpu.memory_space<vmem>>, vector<1x16384xf32>
      %reduce_sum3A_126 = arith.constant dense<0.000000e+00> : vector<16384xf32>
      %reduce_sum3A_127 = vector.multi_reduction <add>, %get3A_125, %reduce_sum3A_126 [0] : vector<1x16384xf32> to vector<16384xf32>
      %broadcast_in_dim3A_128 = vector.shape_cast %reduce_sum3A_127 : vector<16384xf32> to vector<1x16384xf32>
      %reduce_sum3A_129 = arith.constant dense<0.000000e+00> : vector<1xf32>
      %reduce_sum3A_130 = vector.multi_reduction <add>, %broadcast_in_dim3A_128, %reduce_sum3A_129 [1] : vector<1x16384xf32> to vector<1xf32>
      %broadcast_in_dim3A_131 = vector.shape_cast %reduce_sum3A_130 : vector<1xf32> to vector<1x1xf32>
      %div3A_132 = arith.constant 6.553600e+04 : f32
      %div3A_133 = vector.broadcast %div3A_132 : f32 to vector<1x1xf32>
      %div3A_134 = arith.divf %broadcast_in_dim3A_131, %div3A_133 : vector<1x1xf32>
      %mul3A_135 = arith.constant 3.000000e+00 : f32
      %mul3A_136 = vector.broadcast %mul3A_135 : f32 to vector<1x1xf32>
      %mul3A_137 = arith.mulf %mul3A_136, %div3A_122 : vector<1x1xf32>
      %mul3A_138 = arith.constant 1.000000e+00 : f32
      %mul3A_139 = vector.broadcast %mul3A_138 : f32 to vector<1x1xf32>
      %mul3A_140 = arith.mulf %mul3A_139, %div3A_77 : vector<1x1xf32>
      %add3A_141 = arith.addf %mul3A_137, %mul3A_140 : vector<1x1xf32>
      %mul3A_142 = arith.constant 1.000000e-03 : f32
      %mul3A_143 = vector.broadcast %mul3A_142 : f32 to vector<1x1xf32>
      %mul3A_144 = arith.mulf %mul3A_143, %div3A_87 : vector<1x1xf32>
      %add3A_145 = arith.addf %add3A_141, %mul3A_144 : vector<1x1xf32>
      %mul3A_146 = arith.constant 5.000000e+00 : f32
      %mul3A_147 = vector.broadcast %mul3A_146 : f32 to vector<1x1xf32>
      %mul3A_148 = arith.mulf %mul3A_147, %div3A_106 : vector<1x1xf32>
      %add3A_149 = arith.addf %add3A_145, %mul3A_148 : vector<1x1xf32>
      %mul3A_150 = arith.constant 5.000000e+00 : f32
      %mul3A_151 = vector.broadcast %mul3A_150 : f32 to vector<1x1xf32>
      %mul3A_152 = arith.mulf %mul3A_151, %div3A_134 : vector<1x1xf32>
      %add3A_153 = arith.addf %add3A_149, %mul3A_152 : vector<1x1xf32>
      %swap3A = arith.constant 0 : index
      %swap3A_154 = arith.constant 0 : index
      %swap3A_155 = vector.load %arg6[%swap3A, %swap3A_154] : memref<1x1xf32, #tpu.memory_space<vmem>>, vector<1x1xf32>
      tpu.vector_store %arg6[%swap3A, %swap3A_154], %add3A_153 {strides = array<i32>} : memref<1x1xf32, #tpu.memory_space<vmem>>, vector<1x1xf32>,
      %mul3A_156 = arith.constant 3.000000e+00 : f32
      %mul3A_157 = vector.broadcast %mul3A_156 : f32 to vector<1x1xf32>
      %mul3A_158 = arith.mulf %mul3A_157, %div3A_122 : vector<1x1xf32>
      %swap3A_159 = arith.constant 0 : index
      %swap3A_160 = arith.constant 0 : index
      %swap3A_161 = vector.load %arg7[%swap3A_159, %swap3A_160] : memref<1x1xf32, #tpu.memory_space<vmem>>, vector<1x1xf32>
      tpu.vector_store %arg7[%swap3A_159, %swap3A_160], %mul3A_158 {strides = array<i32>} : memref<1x1xf32, #tpu.memory_space<vmem>>, vector<1x1xf32>,
      %mul3A_162 = arith.constant 1.000000e+00 : f32
      %mul3A_163 = vector.broadcast %mul3A_162 : f32 to vector<1x1xf32>
      %mul3A_164 = arith.mulf %mul3A_163, %div3A_77 : vector<1x1xf32>
      %swap3A_165 = arith.constant 0 : index
      %swap3A_166 = arith.constant 0 : index
      %swap3A_167 = vector.load %arg8[%swap3A_165, %swap3A_166] : memref<1x1xf32, #tpu.memory_space<vmem>>, vector<1x1xf32>
      tpu.vector_store %arg8[%swap3A_165, %swap3A_166], %mul3A_164 {strides = array<i32>} : memref<1x1xf32, #tpu.memory_space<vmem>>, vector<1x1xf32>,
      %mul3A_168 = arith.constant 1.000000e-03 : f32
      %mul3A_169 = vector.broadcast %mul3A_168 : f32 to vector<1x1xf32>
      %mul3A_170 = arith.mulf %mul3A_169, %div3A_87 : vector<1x1xf32>
      %swap3A_171 = arith.constant 0 : index
      %swap3A_172 = arith.constant 0 : index
      %swap3A_173 = vector.load %arg9[%swap3A_171, %swap3A_172] : memref<1x1xf32, #tpu.memory_space<vmem>>, vector<1x1xf32>
      tpu.vector_store %arg9[%swap3A_171, %swap3A_172], %mul3A_170 {strides = array<i32>} : memref<1x1xf32, #tpu.memory_space<vmem>>, vector<1x1xf32>,
      %mul3A_174 = arith.constant 5.000000e+00 : f32
      %mul3A_175 = vector.broadcast %mul3A_174 : f32 to vector<1x1xf32>
      %mul3A_176 = arith.mulf %mul3A_175, %div3A_134 : vector<1x1xf32>
      %swap3A_177 = arith.constant 0 : index
      %swap3A_178 = arith.constant 0 : index
      %swap3A_179 = vector.load %arg10[%swap3A_177, %swap3A_178] : memref<1x1xf32, #tpu.memory_space<vmem>>, vector<1x1xf32>
      tpu.vector_store %arg10[%swap3A_177, %swap3A_178], %mul3A_176 {strides = array<i32>} : memref<1x1xf32, #tpu.memory_space<vmem>>, vector<1x1xf32>,
      %mul3A_180 = arith.constant 5.000000e+00 : f32
      %mul3A_181 = vector.broadcast %mul3A_180 : f32 to vector<1x1xf32>
      %mul3A_182 = arith.mulf %mul3A_181, %div3A_106 : vector<1x1xf32>
      %swap3A_183 = arith.constant 0 : index
      %swap3A_184 = arith.constant 0 : index
      %swap3A_185 = vector.load %arg11[%swap3A_183, %swap3A_184] : memref<1x1xf32, #tpu.memory_space<vmem>>, vector<1x1xf32>
      tpu.vector_store %arg11[%swap3A_183, %swap3A_184], %mul3A_182 {strides = array<i32>} : memref<1x1xf32, #tpu.memory_space<vmem>>, vector<1x1xf32>,
    } else {
    }
    return
  }
  func.func @transform_0(%arg0: i32, %arg1: i32) -> (i32, i32) {
    %mul3A = arith.muli %arg1, %arg0 : i32
    %c0_i32 = arith.constant 0 : i32
    %c0_i32_0 = arith.constant 0 : i32
    return %c0_i32, %mul3A : i32, i32
  }
  func.func @transform_1(%arg0: i32, %arg1: i32) -> (i32, i32) {
    %c0_i32 = arith.constant 0 : i32
    %c0_i32_0 = arith.constant 0 : i32
    return %c0_i32, %arg1 : i32, i32
  }
  func.func @transform_2(%arg0: i32, %arg1: i32) -> (i32, i32) {
    %c0_i32 = arith.constant 0 : i32
    %c0_i32_0 = arith.constant 0 : i32
    return %c0_i32, %arg1 : i32, i32
  }
  func.func @transform_3(%arg0: i32, %arg1: i32) -> (i32, i32) {
    %c0_i32 = arith.constant 0 : i32
    %c0_i32_0 = arith.constant 0 : i32
    %c0_i32_1 = arith.constant 0 : i32
    return %c0_i32, %c0_i32_0 : i32, i32
  }
  func.func @transform_4(%arg0: i32, %arg1: i32) -> (i32, i32) {
    %c0_i32 = arith.constant 0 : i32
    %c0_i32_0 = arith.constant 0 : i32
    %c0_i32_1 = arith.constant 0 : i32
    return %c0_i32, %c0_i32_0 : i32, i32
  }
  func.func @transform_5(%arg0: i32, %arg1: i32) -> (i32, i32) {
    %c0_i32 = arith.constant 0 : i32
    %c0_i32_0 = arith.constant 0 : i32
    %c0_i32_1 = arith.constant 0 : i32
    return %c0_i32, %c0_i32_0 : i32, i32
  }
  func.func @transform_6(%arg0: i32, %arg1: i32) -> (i32, i32) {
    %c0_i32 = arith.constant 0 : i32
    %c0_i32_0 = arith.constant 0 : i32
    %c0_i32_1 = arith.constant 0 : i32
    return %c0_i32, %c0_i32_0 : i32, i32
  }
  func.func @transform_7(%arg0: i32, %arg1: i32) -> (i32, i32) {
    %c0_i32 = arith.constant 0 : i32
    %c0_i32_0 = arith.constant 0 : i32
    %c0_i32_1 = arith.constant 0 : i32
    return %c0_i32, %c0_i32_0 : i32, i32
  }
  func.func @transform_8(%arg0: i32, %arg1: i32) -> (i32, i32) {
    %c0_i32 = arith.constant 0 : i32
    %c0_i32_0 = arith.constant 0 : i32
    %c0_i32_1 = arith.constant 0 : i32
    return %c0_i32, %c0_i32_0 : i32, i32
  }
  func.func @transform_9(%arg0: i32, %arg1: i32) -> (i32, i32) {
    %c0_i32 = arith.constant 0 : i32
    %c0_i32_0 = arith.constant 0 : i32
    %c0_i32_1 = arith.constant 0 : i32
    return %c0_i32, %c0_i32_0 : i32, i32
  }
}

</mosaic_0001>

<sc_bundles>
// kernel: kernel.4.cloned.1.call-start
scs
__scs_entry_jumppad:
0x0: {  	(pc) =	sbr.rel $0x88, $3  }
0x1: {  	(tag) =	ssettag $0x0;
	lr =	simm.s32 $0x1  }
0x2: {  	[smem:$0x3F9E] =	sst lr;
	_ =	strace $0xD0000000  }
0x3: {  	_ = 	snop  }
0x4: {  	_ = 	snop  }
0x5: {  	_ = 	snop  }
0x6: {  	_ = 	snop  }
0x7: {  	_ = 	snop  }
__scs_overlays_trampoline_lowered:
0x8: {  	[smem:$0x3FAD] =	sst s0  }
0x9: {  	[smem:$0x3FAE] =	sst s1  }
0xa: {  	[smem:$0x3FAF] =	sst s2  }
0xb: {  	[smem:$0x3FB0] =	sst s3  }
0xc: {  	[smem:$0x3FB1] =	sst s4  }
0xd: {  	[smem:$0x3FB2] =	sst s5  }
0xe: {  	[smem:$0x3FB3] =	sst s6  }
0xf: {  	[smem:$0x3FB4] =	sst s7  }
0x10: {  	[smem:$0x3FB5] =	sst s8  }
0x11: {  	[smem:$0x3FB6] =	sst s9;
	s0 =	simm.s32 @!p0 $0x0  }
0x12: {  	s1 =	sld [smem:$0x3F9C];
	s0 =	simm.s32 @p0 $0x1  }
0x13: {  	[smem:$0x3FB7] =	sst s0;
	s0 =	simm.s32 @!p1 $0x0  }
0x14: {  	s2 =	sld [smem:$0x3F9B];
	s0 =	simm.s32 @p1 $0x1  }
0x15: {  	[smem:$0x3FB8] =	sst s0;
	s0 =	simm.s32 @!p2 $0x0  }
0x16: {  	s3 =	sld [smem:$0x3FDB];
	s0 =	simm.s32 @p2 $0x1  }
0x17: {  	s4 =	simm.s32 $0x1BF5;
	[smem:$0x3FBA] =	sst s0  }
0x18: {  	s0 =	sld [smem:$0x3F9D];
	_ =	swait.ge [sflag:s4], $0x0  }
0x19: {  	s7 =	sld [smem:$0x3F9E]  }
0x1a: {  	s8 =	sadd.s32 $0xFFFFE003, lr  }
0x1b: {  	s9 =	sadd.s32 $0xFFFFFEF7, lr;
	s5 =	simm.s32 $0xFFFFFFFF;
	p2 =	slt.u32 s8, $0xFFFFF086  }
0x1c: {  	p1 =	slt.u32 s9, $0xF7A;
	s5 =	simm.s32 @!p2 $0x0  }
0x1d: {  	s5 =	simm.s32 @p1 $0x1;
	p0 =	seq.s32 s7, s2  }
0x1e: {  	s7 =	smul.u32 @!p0 $0xF7A, s2;
	p2 =	seq.s32 @!p0 s5, $0x0  }
0x1f: {  	s9 =	smul.u32 $0xF7A, s1;
	s8 =	simm.s32 @!p0 $0x1BF5;
	p2 =	por !p2, p0  }
0x20: {  	[sflag:s8] =	ssyncset.s32 @!p0 $0xFFFFF086;
	s6 =	sadd.s32 @!p0 s3, s7;
	s7 =	simm.s32 @!p0 $0x108  }
0x21: {  	s3 =	sadd.s32 s3, s9;
	s6 =	sadd.s32 @!p0 $0x88, s6;
	s7 =	simm.s32 @p2 $0x1082  }
0x22: {  	[simem:s7], [sflag:s8] =	dma.local @!p0 [hbm:s6], $0xF7A  }
0x23: {  	s9 =	sor.u32 $0xD0000000, s2;
	s6 =	simm.s32 $0x108;
	_ =	swait.ge @!p0 [sflag:s8], $0x0  }
0x24: {  	s3 =	sadd.s32 $0x88, s3;
	s6 =	simm.s32 @!p1 $0x1082;
	[sflag:s4] =	ssyncset.s32 $0xFFFFF086  }
0x25: {  	[simem:s6], [sflag:s4] =	dma.local [hbm:s3], $0xF7A  }
0x26: {  	[smem:$0x3F9E] =	sst s1;
	(tag) =	ssettag s2;
	_ =	strace s9  }
0x27: {  	s1 =	sld [smem:$0x3FAE]  }
0x28: {  	s2 =	sld [smem:$0x3FAF]  }
0x29: {  	s4 =	sld [smem:$0x3FB1]  }
0x2a: {  	p0 =	seq.s32 s5, $0x0;
	s5 =	sld [smem:$0x3FB2]  }
0x2b: {  	s6 =	sld [smem:$0x3FB3]  }
0x2c: {  	s7 =	sld [smem:$0x3FB4]  }
0x2d: {  	s3 =	simm.s32 $0x108;
	s8 =	sld [smem:$0x3FB5]  }
0x2e: {  	s3 =	simm.s32 @!p0 $0x1082;
	s9 =	sld [smem:$0x3FB6]  }
0x2f: {  	lr =	sadd.s32 s0, s3;
	s0 =	sld [smem:$0x3FAD]  }
0x30: {  	s3 =	sld [smem:$0x3FB0]  }
0x31: {  	[smem:$0x3FB9] =	sst s10  }
0x32: {  	s10 =	sld [smem:$0x3FB7];
	_ =	sdelay $0x3  }
0x33: {  	p0 =	seq.s32 s10, $0x1;
	s10 =	sld [smem:$0x3FB9];
	_ =	sdelay $0x3  }
0x34: {  	[smem:$0x3FB9] =	sst s10  }
0x35: {  	s10 =	sld [smem:$0x3FB8];
	_ =	sdelay $0x3  }
0x36: {  	p1 =	seq.s32 s10, $0x1;
	s10 =	sld [smem:$0x3FB9];
	_ =	sdelay $0x3  }
0x37: {  	[smem:$0x3FB9] =	sst s10  }
0x38: {  	s10 =	sld [smem:$0x3FBA]  }
0x39: {  	_ = 	snop;
	(pc) =	sbr.ind lr, $3  }
0x3a: {  	_ = 	snop  }
0x3b: {  	_ = 	snop  }
0x3c: {  	p2 =	seq.s32 s10, $0x1;
	s10 =	sld [smem:$0x3FB9]  }
0x3d: {  	_ =	shalt  }
0x3e: {  	_ =	shalt  }
0x3f: {  	_ =	shalt  }
0x40: {  	_ =	shalt  }
0x41: {  	_ =	shalt  }
0x42: {  	_ =	shalt  }
0x43: {  	_ =	shalt  }
0x44: {  	_ =	shalt  }
0x45: {  	_ =	shalt  }
0x46: {  	_ =	shalt  }
0x47: {  	_ =	shalt  }
0x48: {  	_ =	shalt  }
0x49: {  	_ =	shalt  }
0x4a: {  	_ =	shalt  }
0x4b: {  	_ =	shalt  }
0x4c: {  	_ =	shalt  }
0x4d: {  	_ =	shalt  }
0x4e: {  	_ =	shalt  }
0x4f: {  	_ =	shalt  }
0x50: {  	_ =	shalt  }
0x51: {  	_ =	shalt  }
0x52: {  	_ =	shalt  }
0x53: {  	_ =	shalt  }
0x54: {  	_ =	shalt  }
0x55: {  	_ =	shalt  }
0x56: {  	_ =	shalt  }
0x57: {  	_ =	shalt  }
0x58: {  	_ =	shalt  }
0x59: {  	_ =	shalt  }
0x5a: {  	_ =	shalt  }
0x5b: {  	_ =	shalt  }
0x5c: {  	_ =	shalt  }
0x5d: {  	_ =	shalt  }
0x5e: {  	_ =	shalt  }
0x5f: {  	_ =	shalt  }
0x60: {  	_ =	shalt  }
0x61: {  	_ =	shalt  }
0x62: {  	_ =	shalt  }
0x63: {  	_ =	shalt  }
0x64: {  	_ =	shalt  }
0x65: {  	_ =	shalt  }
0x66: {  	_ =	shalt  }
0x67: {  	_ =	shalt  }
0x68: {  	_ =	shalt  }
0x69: {  	_ =	shalt  }
0x6a: {  	_ =	shalt  }
0x6b: {  	_ =	shalt  }
0x6c: {  	_ =	shalt  }
0x6d: {  	_ =	shalt  }
0x6e: {  	_ =	shalt  }
0x6f: {  	_ =	shalt  }
0x70: {  	_ =	shalt  }
0x71: {  	_ =	shalt  }
0x72: {  	_ =	shalt  }
0x73: {  	_ =	shalt  }
0x74: {  	_ =	shalt  }
0x75: {  	_ =	shalt  }
0x76: {  	_ =	shalt  }
0x77: {  	_ =	shalt  }
0x78: {  	_ =	shalt  }
0x79: {  	_ =	shalt  }
0x7a: {  	_ =	shalt  }
0x7b: {  	_ =	shalt  }
0x7c: {  	_ =	shalt  }
0x7d: {  	_ =	shalt  }
0x7e: {  	_ =	shalt  }
0x7f: {  	_ =	shalt  }
0x80: {  	_ =	shalt  }
0x81: {  	_ =	shalt  }
0x82: {  	_ =	shalt  }
0x83: {  	_ =	shalt  }
0x84: {  	_ =	shalt  }
0x85: {  	_ =	shalt  }
0x86: {  	_ =	shalt  }
0x87: {  	_ =	shalt  }
.Lfunc_end0:
.L_simem_size_0:
called_computation_lowered:
.L_overlay_start_0:
0x88: {  	s2 =	sld [smem:$0x3FD9]  }
0x89: {  	s3 =	sld [smem:$0x3FFE];
	_ =	sdelay $0x1  }
0x8a: {  	s1 =	srdreg.scid  }
0x8b: {  	s0 =	sand.u32 $0x1, s1  }
0x8c: {  	s17 =	sshll.u32 s0, $0xA;
	s2 =	sadd.s32 s3, s2  }
0x8d: {  	s2 =	sadd.s32 s2, s17  }
0x8e: {  	[smem:$0x3FC5] =	sst s2  }
0x8f: {  	_ = 	snop  }
0x90: {  	s2 =	sld [smem:$0x3FC7];
	(tm) =	ssettm $0x1  }
0x91: {  	s18 =	sld [smem:$0x3FFB];
	_ =	sdelay $0x3  }
0x92: {  	_ =	strace s18  }
0x93: {  	s3 =	sld [smem:$0x3FFC];
	_ =	sdelay $0x3  }
0x94: {  	_ =	strace s3  }
0x95: {  	s3 =	sld [smem:$0x3FFD];
	_ =	sdelay $0x3  }
0x96: {  	_ =	strace s3  }
0x97: {  	_ =	strace $0x8FFFFFFF  }
0x98: {  	s19 =	sld [smem:$0x3FDB];
	_ =	sdelay $0x1  }
0x99: {  	s4 =	simm.s32 $_scs_section_size  }
0x9a: {  	s5 =	simm.s32 $_size__tile_overlayer_lowered;
	s6 =	simm.s32 $_tile_overlayer_lowered  }
0x9b: {  	s22 =	simm.s32 $0x1BFF;
	s21 =	sshll.u32 s6, $0x1;
	s3 =	sadd.s32 s4, s19  }
0x9c: {  	s7 =	simm.s32 $0x0;
	s20 =	sshll.u32 s5, $0x1;
	s5 =	sadd.s32 s21, s3  }
0x9d: {  	[timem:s7], [sflag:s22] =	dma.local [hbm:s5], s20  }
0x9e: {  	_ =	swait.ge [sflag:s22], s20  }
0x9f: {  	s4 =	ssub.s32 $0x0, s20;
	[sflag:s22] =	ssyncset.done $0x0  }
0xa0: {  	[sflag:s22] =	ssyncadd.s32 s4;
	_ =	sdelay $0x1  }
0xa1: {  	s23 =	simm.s32 $0x1B8B  }
0xa2: {  	_ =	swait.ge [sflag:s23], $0x1  }
0xa3: {  	[sflag:s23] =	ssyncset.done $0x0  }
0xa4: {  	s25 =	simm.s32 $0x1B8E;
	s24 =	sld [smem:$0x3FFE];
	[sflag:s23] =	ssyncadd.s32 $0xFFFFFFFF  }
0xa5: {  	s26 =	simm.s32 $execute0_lowered;
	[smem:$0x3FD2] =	sst s25  }
0xa6: {  	s5 =	sshll.u32 s26, $0x1;
	_ =	strace $0x80000046;
	[dreg:$0x1] =	wrdreg $0xFFFFFFFF  }
0xa7: {  	s28 =	simm.s32 $_size_execute0_lowered;
	s3 =	sadd.s32 s3, s5;
	[dreg:$0x0] =	wrdreg $0x0  }
0xa8: {  	s5 =	sshll.u32 s28, $0x1;
	[dreg:$0x2] =	wrdreg s3  }
0xa9: {  	[dreg:$0x3] =	wrdreg s5  }
0xaa: {  	[dreg:$0x4] =	wrdreg $0xC0  }
0xab: {  	_ =	task [dreg:s7], $0x5FFFF  }
0xac: {  	[dreg:$0x1] =	wrdreg $0xFFFFFFFF  }
0xad: {  	[dreg:$0x0] =	wrdreg $0x60  }
0xae: {  	[dreg:$0x2] =	wrdreg s24  }
0xaf: {  	[dreg:$0x3] =	wrdreg s2  }
0xb0: {  	[dreg:$0x4] =	wrdreg $0x8A000  }
0xb1: {  	[dreg:$0x5] =	wrdreg $0x9  }
0xb2: {  	_ =	task.clear_ibuf [dreg:s7], $0x6FFFF;
	_ =	strace $0x90000046  }
0xb3: {  	s29 =	simm.s32 $0x9;
	_ =	strace $0x80000048  }
0xb4: {  	_ =	swait.ge [sflag:s29], $0x1  }
0xb5: {  	[sflag:s29] =	ssyncadd.s32 $0xFFFFFFFF  }
0xb6: {  	_ =	strace $0x90000048  }
0xb7: {  	_ =	sfence  }
0xb8: {  	s30 =	sld [smem:$0x0];
	_ =	sdelay $0x2  }
0xb9: {  	s31 =	sshll.u32 s1, $0xD;
	s1 =	sshrl.u32 s1, $0x2  }
0xba: {  	s3 =	sand.u32 $0x4000, s31;
	s1 =	sadd.s32 s1, s30  }
0xbb: {  	s0 =	sor.u32 s3, s0;
	s1 =	sshll.u32 s1, $0x11  }
0xbc: {  	s0 =	sor.u32 s1, s0  }
0xbd: {  	s0 =	sadd.s32 $0x8F2B, s0  }
0xbe: {  	[sflag:s0] =	ssyncadd.remote.s32 $0x1  }
0xbf: {  	_ =	sfence.sel $0xFFFF  }
0xc0: {  	[dreg:$0x0] =	wrdreg $0xFFFFFFFF;
	(pc) =	sbr.abs _section_cstart, $3  }
0xc1: {  	[dreg:$0x1] =	wrdreg $0xFFFFFFFF  }
0xc2: {  	_ =	task.clear_ibuf [dreg:s7], $0x2FFFF;
	_ =	strace $0x9FFFFFFF  }
0xc3: {  	(tm) =	ssettm $0x7FFFFFFF  }
tec
execute0_lowered:
.L_overlay_start_1:
0x0: {  	(tag) =	ssettag $0x1  }
0x1: {  	s3 =	rddreg [dreg:$0x0]  }
0x2: {  	s0 =	srdreg.scid;
	s4 =	rddreg [dreg:$0x1]  }
0x3: {  	s5 =	stileid.u32;
	s1 =	rddreg [dreg:$0x2];
	s2 =	simm.s32 $0x0  }
0x4: {  	s20 =	sand.u32 $0x1, s0;
	[smem:$0x7FF] =	sst s2;
	s0 =	simm.s32 $0x8080  }
0x5: {  	s9 =	simm.s32 $0x1800;
	_ =	strace $0x80000047;
	[dreg:$0x7] =	wrdreg s0  }
0x6: {  	s10 =	simm.s32 $0x8200;
	s11 =	simm.s32 $0x2000;
	[dreg:$0xc] =	wrdreg s9  }
0x7: {  	s12 =	simm.s32 $0x8280;
	s13 =	simm.s32 $0x2800;
	[dreg:$0xd] =	wrdreg s10  }
0x8: {  	s7 =	sshll.u32 s5, $0xB;
	s6 =	sshll.u32 s20, $0xF;
	[dreg:$0xe] =	wrdreg s11  }
0x9: {  	s15 =	simm.s32 $0x8300;
	[dreg:$0xf] =	wrdreg s12;
	s6 =	sor.u32 s7, s6  }
0xa: {  	[dreg:$0x10] =	wrdreg s13;
	s7 =	sshll.u32 s6, $0x1;
	s6 =	sshrl.u32 s6, $0x3  }
0xb: {  	s8 =	sshll.u32 s20, $0x6;
	[dreg:$0x11] =	wrdreg s15;
	s4 =	sadd.s32 s4, s6  }
0xc: {  	s7 =	sadd.s32 s7, s3;
	s6 =	simm.s32 $0x8100;
	[dreg:$0x5] =	wrdreg s4  }
0xd: {  	s3 =	sadd.s32 s8, s3;
	s8 =	simm.s32 $0x8180;
	[dreg:$0x9] =	wrdreg s6  }
0xe: {  	s7 =	sadd.s32 $0x100C00, s7;
	[dreg:$0xb] =	wrdreg s8  }
0xf: {  	s3 =	sadd.s32 $0xC00, s3;
	[dreg:$0x4] =	wrdreg s7  }
0x10: {  	s4 =	simm.s32 $0x800;
	[dreg:$0x6] =	wrdreg s3  }
0x11: {  	[dreg:$0x8] =	wrdreg s4;
	s7 =	simm.s32 $0x1000  }
0x12: {  	[dreg:$0xa] =	wrdreg s7  }
0x13: {  	s3 =	simm.s32 $0x2;
	s14 =	rddreg [dreg:$0x4]  }
0x14: {  	[tilespmem:s2], [sflag:$0x2] =	stream.linear.gather [hbm4b:s14+s2], $0x8000, $0x38;
	[tilespmem:$0x8A20] =	vst v63  }
0x15: {  	_ =	swait.ge [sflag:s3], $0x8000  }
0x16: {  	[sflag:s3] =	ssyncset.done $0x0  }
0x17: {  	s4 =	simm.s32 $0x8000;
	s16 =	rddreg [dreg:$0x5];
	[sflag:s3] =	ssyncadd.s32 $0xFFFF8000  }
0x18: {  	[tilespmem:s4], [sflag:$0x2] =	stream.linear.gather [hbm4b:s16+s2], $0x800, $0x38;
	[tilespmem:$0x8A20] =	vst v63  }
0x19: {  	_ =	swait.ge [sflag:s3], $0x800  }
0x1a: {  	[sflag:s3] =	ssyncset.done $0x0  }
0x1b: {  	v0 =	vimm.f32 $0.0e+00;
	[sflag:s3] =	ssyncadd.s32 $0xFFFFF800  }
0x1c: {  	[tilespmem:$0x89F0] =	vst v0  }
0x1d: {  	[tilespmem:$0x89E0] =	vst v0  }
0x1e: {  	[tilespmem:$0x89D0] =	vst v0  }
0x1f: {  	[tilespmem:$0x89C0] =	vst v0  }
0x20: {  	[tilespmem:$0x89B0] =	vst v0  }
0x21: {  	[tilespmem:$0x89A0] =	vst v0  }
0x22: {  	[tilespmem:$0x8990] =	vst v0  }
0x23: {  	[tilespmem:$0x8980] =	vst v0  }
0x24: {  	[tilespmem:$0x8970] =	vst v0  }
0x25: {  	[tilespmem:$0x8960] =	vst v0  }
0x26: {  	[tilespmem:$0x8950] =	vst v0  }
0x27: {  	[tilespmem:$0x8940] =	vst v0  }
0x28: {  	[tilespmem:$0x8930] =	vst v0  }
0x29: {  	[tilespmem:$0x8920] =	vst v0  }
0x2a: {  	[tilespmem:$0x8910] =	vst v0  }
0x2b: {  	[tilespmem:$0x8900] =	vst v0  }
0x2c: {  	[tilespmem:$0x88F0] =	vst v0  }
0x2d: {  	[tilespmem:$0x88E0] =	vst v0  }
0x2e: {  	[tilespmem:$0x88D0] =	vst v0  }
0x2f: {  	[tilespmem:$0x88C0] =	vst v0  }
0x30: {  	[tilespmem:$0x88B0] =	vst v0  }
0x31: {  	[tilespmem:$0x88A0] =	vst v0  }
0x32: {  	[tilespmem:$0x8890] =	vst v0  }
0x33: {  	[tilespmem:$0x8880] =	vst v0  }
0x34: {  	[tilespmem:$0x8870] =	vst v0  }
0x35: {  	[tilespmem:$0x8860] =	vst v0  }
0x36: {  	[tilespmem:$0x8850] =	vst v0  }
0x37: {  	[tilespmem:$0x8840] =	vst v0  }
0x38: {  	[tilespmem:$0x8830] =	vst v0  }
0x39: {  	[tilespmem:$0x8820] =	vst v0  }
0x3a: {  	p0 =	sne.s32 s5, $0x0;
	[tilespmem:$0x8800] =	vst v0  }
0x3b: {  	s0 =	simm.s32 @!p0 $0x8800;
	s5 =	simm.s32 @!p0 $0x2;
	[tilespmem:$0x8810] =	vst v0  }
0x3c: {  	[spmem:s1] =	stream.linear.scatter @!p0 [tilespmem:s0], [sflag:$0x2], $0x200, $0x38;
	[tilespmem:$0x8A20] =	vst v63  }
0x3d: {  	_ =	swait.ge @!p0 [sflag:s5], $0x200  }
0x3e: {  	[sflag:s5] =	ssyncset.done @!p0 $0x0  }
0x3f: {  	[sflag:s5] =	ssyncadd.s32 @!p0 $0xFFFFFE00  }
0x40: {  	[bflag:$0x0] =	sbarrier.arrive $0xFFFF  }
0x41: {  	s17 =	rddreg [dreg:$0xa]  }
0x42: {  	s7 =	simm.s32 $0x80;
	s9 =	rddreg [dreg:$0x8]  }
0x43: {  	[spmem:s1] =	stream.indirect.scatter.add.f32 [tilespmem:s2], [sflag:$0x1], $0x10, s4, s7, $0xb8;
	[tilespmem:$0x8A20] =	vst v63  }
0x44: {  	s10 =	rddreg [dreg:$0x9]  }
0x45: {  	s11 =	rddreg [dreg:$0x10]  }
0x46: {  	s12 =	rddreg [dreg:$0x7]  }
0x47: {  	s13 =	rddreg [dreg:$0xe]  }
0x48: {  	[spmem:s1] =	stream.indirect.scatter.add.f32 [tilespmem:s9], [sflag:$0x1], $0x10, s12, s7, $0xb8;
	[tilespmem:$0x8A20] =	vst v63  }
0x49: {  	s14 =	rddreg [dreg:$0xc]  }
0x4a: {  	[spmem:s1] =	stream.indirect.scatter.add.f32 [tilespmem:s17], [sflag:$0x1], $0x10, s10, s7, $0xb8;
	[tilespmem:$0x8A20] =	vst v63  }
0x4b: {  	s18 =	rddreg [dreg:$0xb]  }
0x4c: {  	[spmem:s1] =	stream.indirect.scatter.add.f32 [tilespmem:s14], [sflag:$0x1], $0x10, s18, s7, $0xb8;
	[tilespmem:$0x8A20] =	vst v63  }
0x4d: {  	s19 =	rddreg [dreg:$0xd]  }
0x4e: {  	[spmem:s1] =	stream.indirect.scatter.add.f32 [tilespmem:s13], [sflag:$0x1], $0x10, s19, s7, $0xb8;
	[tilespmem:$0x8A20] =	vst v63  }
0x4f: {  	s21 =	rddreg [dreg:$0xf]  }
0x50: {  	[spmem:s1] =	stream.indirect.scatter.add.f32 [tilespmem:s11], [sflag:$0x1], $0x10, s21, s7, $0xb8;
	[tilespmem:$0x8A20] =	vst v63  }
0x51: {  	s23 =	simm.s32 $0x3000;
	s22 =	rddreg [dreg:$0x11]  }
0x52: {  	[spmem:s1] =	stream.indirect.scatter.add.f32 [tilespmem:s23], [sflag:$0x1], $0x10, s22, s7, $0xb8;
	[tilespmem:$0x8A20] =	vst v63  }
0x53: {  	s24 =	simm.s32 $0x8380;
	s25 =	simm.s32 $0x3800  }
0x54: {  	[spmem:s1] =	stream.indirect.scatter.add.f32 [tilespmem:s25], [sflag:$0x1], $0x10, s24, s7, $0xb8;
	[tilespmem:$0x8A20] =	vst v63  }
0x55: {  	s26 =	simm.s32 $0x8400;
	s31 =	simm.s32 $0x4000  }
0x56: {  	[spmem:s1] =	stream.indirect.scatter.add.f32 [tilespmem:s31], [sflag:$0x1], $0x10, s26, s7, $0xb8;
	[tilespmem:$0x8A20] =	vst v63  }
0x57: {  	s15 =	simm.s32 $0x4800;
	s14 =	simm.s32 $0x8480  }
0x58: {  	[spmem:s1] =	stream.indirect.scatter.add.f32 [tilespmem:s15], [sflag:$0x1], $0x10, s14, s7, $0xb8;
	[tilespmem:$0x8A20] =	vst v63  }
0x59: {  	s16 =	simm.s32 $0x8500;
	s17 =	simm.s32 $0x5000  }
0x5a: {  	[spmem:s1] =	stream.indirect.scatter.add.f32 [tilespmem:s17], [sflag:$0x1], $0x10, s16, s7, $0xb8;
	[tilespmem:$0x8A20] =	vst v63  }
0x5b: {  	s18 =	simm.s32 $0x8580;
	s19 =	simm.s32 $0x5800  }
0x5c: {  	[spmem:s1] =	stream.indirect.scatter.add.f32 [tilespmem:s19], [sflag:$0x1], $0x10, s18, s7, $0xb8;
	[tilespmem:$0x8A20] =	vst v63  }
0x5d: {  	s21 =	simm.s32 $0x8600;
	s22 =	simm.s32 $0x6000  }
0x5e: {  	[spmem:s1] =	stream.indirect.scatter.add.f32 [tilespmem:s22], [sflag:$0x1], $0x10, s21, s7, $0xb8;
	[tilespmem:$0x8A20] =	vst v63  }
0x5f: {  	s23 =	simm.s32 $0x8680;
	s24 =	simm.s32 $0x6800  }
0x60: {  	[spmem:s1] =	stream.indirect.scatter.add.f32 [tilespmem:s24], [sflag:$0x1], $0x10, s23, s7, $0xb8;
	[tilespmem:$0x8A20] =	vst v63  }
0x61: {  	s25 =	simm.s32 $0x8700;
	s26 =	simm.s32 $0x7000  }
0x62: {  	[spmem:s1] =	stream.indirect.scatter.add.f32 [tilespmem:s26], [sflag:$0x1], $0x10, s25, s7, $0xb8;
	[tilespmem:$0x8A20] =	vst v63  }
0x63: {  	s28 =	simm.s32 $0x8780;
	s29 =	simm.s32 $0x7800;
	s8 =	simm.s32 $0x1  }
0x64: {  	[spmem:s1] =	stream.indirect.scatter.add.f32 [tilespmem:s29], [sflag:$0x1], $0x10, s28, s7, $0xb8;
	[tilespmem:$0x8A20] =	vst v63  }
0x65: {  	_ =	swait.ge [sflag:s8], $0x800  }
0x66: {  	[sflag:s8] =	ssyncset.done $0x0  }
0x67: {  	[sflag:s8] =	ssyncadd.s32 $0xFFFFF800  }
0x68: {  	_ =	swait.ge [sflag:s8], $0x800  }
0x69: {  	[sflag:s8] =	ssyncset.done $0x0  }
0x6a: {  	[sflag:s8] =	ssyncadd.s32 $0xFFFFF800  }
0x6b: {  	_ =	swait.ge [sflag:s8], $0x800  }
0x6c: {  	s20 =	ssub.s32 $0x2, s20;
	[sflag:s8] =	ssyncset.done $0x0  }
0x6d: {  	s30 =	sshrl.u32 s20, $0x1;
	[sflag:s8] =	ssyncadd.s32 $0xFFFFF800  }
0x6e: {  	s20 =	ssub.s32 s20, s30;
	_ =	swait.ge [sflag:s8], $0x800  }
0x6f: {  	s20 =	smax.u32 s20, $0x1;
	[sflag:s8] =	ssyncset.done $0x0  }
0x70: {  	s30 =	sadd.s32 $0xFFFFFFFF, s20;
	[sflag:s8] =	ssyncadd.s32 $0xFFFFF800  }
0x71: {  	p1 =	sne.s32 s30, $0x0;
	_ =	swait.ge [sflag:s8], $0x800  }
.Ltmp0:
0x72: {  	[sflag:s8] =	ssyncset.done $0x0;
	(pc) =	sbr.rel @!p1 .LBB2_2-.Ltmp0, $4  }
0x73: {  	[sflag:s8] =	ssyncadd.s32 $0xFFFFF800  }
0x74: {  	_ =	swait.ge [sflag:s8], $0x800  }
0x75: {  	[sflag:s8] =	ssyncset.done $0x0  }
0x76: {  	s20 =	sshrl.u32 @!p0 s1, $0x3;
	[sflag:s8] =	ssyncadd.s32 $0xFFFFF800  }
.LBB2_1:
0x77: {  	_ =	swait.ge [sflag:s8], $0x800  }
0x78: {  	[sflag:s8] =	ssyncset.done $0x0  }
0x79: {  	[sflag:s8] =	ssyncadd.s32 $0xFFFFF800  }
0x7a: {  	_ =	swait.ge [sflag:s8], $0x800  }
0x7b: {  	[sflag:s8] =	ssyncset.done $0x0  }
0x7c: {  	[sflag:s8] =	ssyncadd.s32 $0xFFFFF800  }
0x7d: {  	_ =	swait.ge [sflag:s8], $0x800  }
0x7e: {  	[sflag:s8] =	ssyncset.done $0x0  }
0x7f: {  	[sflag:s8] =	ssyncadd.s32 $0xFFFFF800  }
0x80: {  	_ =	swait.ge [sflag:s8], $0x800  }
0x81: {  	[sflag:s8] =	ssyncset.done $0x0  }
0x82: {  	[sflag:s8] =	ssyncadd.s32 $0xFFFFF800  }
0x83: {  	_ =	swait.ge [sflag:s8], $0x800  }
0x84: {  	[sflag:s8] =	ssyncset.done $0x0  }
0x85: {  	[sflag:s8] =	ssyncadd.s32 $0xFFFFF800  }
0x86: {  	_ =	swait.ge [sflag:s8], $0x800  }
0x87: {  	[sflag:s8] =	ssyncset.done $0x0  }
0x88: {  	[sflag:s8] =	ssyncadd.s32 $0xFFFFF800  }
0x89: {  	_ =	swait.ge [sflag:s8], $0x800  }
0x8a: {  	[sflag:s8] =	ssyncset.done $0x0  }
0x8b: {  	[sflag:s8] =	ssyncadd.s32 $0xFFFFF800  }
0x8c: {  	_ =	swait.ge [sflag:s8], $0x800  }
0x8d: {  	[sflag:s8] =	ssyncset.done $0x0  }
0x8e: {  	[sflag:s8] =	ssyncadd.s32 $0xFFFFF800  }
0x8f: {  	_ =	swait.ge [sflag:s8], $0x800  }
0x90: {  	[sflag:s8] =	ssyncset.done $0x0  }
0x91: {  	[sflag:s8] =	ssyncadd.s32 $0xFFFFF800  }
0x92: {  	_ =	swait.ge [sflag:s8], $0x800  }
0x93: {  	[sflag:s8] =	ssyncset.done $0x0  }
0x94: {  	[sflag:s8] =	ssyncadd.s32 $0xFFFFF800  }
0x95: {  	[bflag:$0x0] =	sbarrier.arrive $0xFFFF  }
0x96: {  	s0 =	simm.s32 @!p0 $0x1C02;
	s31 =	rddreg [dreg:$0x6]  }
0x97: {  	[hbm:s31], [sflag:s0] =	dma.local @!p0 [spmem:s20], $0x40  }
0x98: {  	_ =	swait.ge @!p0 [sflag:s5], $0x40  }
0x99: {  	[sflag:s5] =	ssyncset.done @!p0 $0x0  }
0x9a: {  	s13 =	rddreg [dreg:$0x4];
	[sflag:s5] =	ssyncadd.s32 @!p0 $0xFFFFFFC0  }
0x9b: {  	[tilespmem:s2], [sflag:$0x2] =	stream.linear.gather [hbm4b:s13+s2], $0x8000, $0x38;
	[tilespmem:$0x8A20] =	vst v63  }
0x9c: {  	_ =	swait.ge [sflag:s3], $0x8000  }
0x9d: {  	[sflag:s3] =	ssyncset.done $0x0  }
0x9e: {  	s31 =	rddreg [dreg:$0x5];
	[sflag:s3] =	ssyncadd.s32 $0xFFFF8000  }
0x9f: {  	[tilespmem:s4], [sflag:$0x2] =	stream.linear.gather [hbm4b:s31+s2], $0x800, $0x38;
	[tilespmem:$0x8A20] =	vst v63  }
0xa0: {  	_ =	swait.ge [sflag:s3], $0x800  }
0xa1: {  	[sflag:s3] =	ssyncset.done $0x0  }
0xa2: {  	[sflag:s3] =	ssyncadd.s32 $0xFFFFF800  }
0xa3: {  	[tilespmem:$0x89F0] =	vst v0  }
0xa4: {  	[tilespmem:$0x89E0] =	vst v0  }
0xa5: {  	[tilespmem:$0x89D0] =	vst v0  }
0xa6: {  	[tilespmem:$0x89C0] =	vst v0  }
0xa7: {  	[tilespmem:$0x89B0] =	vst v0  }
0xa8: {  	[tilespmem:$0x89A0] =	vst v0  }
0xa9: {  	[tilespmem:$0x8990] =	vst v0  }
0xaa: {  	[tilespmem:$0x8980] =	vst v0  }
0xab: {  	[tilespmem:$0x8970] =	vst v0  }
0xac: {  	[tilespmem:$0x8960] =	vst v0  }
0xad: {  	[tilespmem:$0x8950] =	vst v0  }
0xae: {  	[tilespmem:$0x8940] =	vst v0  }
0xaf: {  	[tilespmem:$0x8930] =	vst v0  }
0xb0: {  	[tilespmem:$0x8920] =	vst v0  }
0xb1: {  	[tilespmem:$0x8910] =	vst v0  }
0xb2: {  	[tilespmem:$0x8900] =	vst v0  }
0xb3: {  	[tilespmem:$0x88F0] =	vst v0  }
0xb4: {  	[tilespmem:$0x88E0] =	vst v0  }
0xb5: {  	[tilespmem:$0x88D0] =	vst v0  }
0xb6: {  	[tilespmem:$0x88C0] =	vst v0  }
0xb7: {  	[tilespmem:$0x88B0] =	vst v0  }
0xb8: {  	[tilespmem:$0x88A0] =	vst v0  }
0xb9: {  	[tilespmem:$0x8890] =	vst v0  }
0xba: {  	[tilespmem:$0x8880] =	vst v0  }
0xbb: {  	[tilespmem:$0x8870] =	vst v0  }
0xbc: {  	[tilespmem:$0x8860] =	vst v0  }
0xbd: {  	[tilespmem:$0x8850] =	vst v0  }
0xbe: {  	[tilespmem:$0x8840] =	vst v0  }
0xbf: {  	[tilespmem:$0x8830] =	vst v0  }
0xc0: {  	[tilespmem:$0x8820] =	vst v0  }
0xc1: {  	[tilespmem:$0x8800] =	vst v0  }
0xc2: {  	s0 =	simm.s32 @!p0 $0x8800;
	[tilespmem:$0x8810] =	vst v0  }
0xc3: {  	[spmem:s1] =	stream.linear.scatter @!p0 [tilespmem:s0], [sflag:$0x2], $0x200, $0x38;
	[tilespmem:$0x8A20] =	vst v63  }
0xc4: {  	_ =	swait.ge @!p0 [sflag:s5], $0x200  }
0xc5: {  	[sflag:s5] =	ssyncset.done @!p0 $0x0  }
0xc6: {  	[sflag:s5] =	ssyncadd.s32 @!p0 $0xFFFFFE00  }
0xc7: {  	[bflag:$0x0] =	sbarrier.arrive $0xFFFF  }
0xc8: {  	s0 =	rddreg [dreg:$0xa]  }
0xc9: {  	s31 =	rddreg [dreg:$0x8]  }
0xca: {  	[spmem:s1] =	stream.indirect.scatter.add.f32 [tilespmem:s2], [sflag:$0x1], $0x10, s4, s7, $0xb8;
	[tilespmem:$0x8A20] =	vst v63  }
0xcb: {  	s6 =	rddreg [dreg:$0x9]  }
0xcc: {  	s9 =	rddreg [dreg:$0x10]  }
0xcd: {  	s10 =	rddreg [dreg:$0xe]  }
0xce: {  	s11 =	rddreg [dreg:$0x7]  }
0xcf: {  	[spmem:s1] =	stream.indirect.scatter.add.f32 [tilespmem:s31], [sflag:$0x1], $0x10, s11, s7, $0xb8;
	[tilespmem:$0x8A20] =	vst v63  }
0xd0: {  	s12 =	rddreg [dreg:$0xc]  }
0xd1: {  	[spmem:s1] =	stream.indirect.scatter.add.f32 [tilespmem:s0], [sflag:$0x1], $0x10, s6, s7, $0xb8;
	[tilespmem:$0x8A20] =	vst v63  }
0xd2: {  	s13 =	rddreg [dreg:$0xb]  }
0xd3: {  	[spmem:s1] =	stream.indirect.scatter.add.f32 [tilespmem:s12], [sflag:$0x1], $0x10, s13, s7, $0xb8;
	[tilespmem:$0x8A20] =	vst v63  }
0xd4: {  	s11 =	rddreg [dreg:$0xd]  }
0xd5: {  	[spmem:s1] =	stream.indirect.scatter.add.f32 [tilespmem:s10], [sflag:$0x1], $0x10, s11, s7, $0xb8;
	[tilespmem:$0x8A20] =	vst v63  }
0xd6: {  	s6 =	rddreg [dreg:$0xf]  }
0xd7: {  	[spmem:s1] =	stream.indirect.scatter.add.f32 [tilespmem:s9], [sflag:$0x1], $0x10, s6, s7, $0xb8;
	[tilespmem:$0x8A20] =	vst v63  }
0xd8: {  	s31 =	rddreg [dreg:$0x11];
	s10 =	simm.s32 $0x3000  }
0xd9: {  	[spmem:s1] =	stream.indirect.scatter.add.f32 [tilespmem:s10], [sflag:$0x1], $0x10, s31, s7, $0xb8;
	[tilespmem:$0x8A20] =	vst v63  }
0xda: {  	s12 =	simm.s32 $0x3800;
	s11 =	simm.s32 $0x8380  }
0xdb: {  	[spmem:s1] =	stream.indirect.scatter.add.f32 [tilespmem:s12], [sflag:$0x1], $0x10, s11, s7, $0xb8;
	[tilespmem:$0x8A20] =	vst v63  }
0xdc: {  	s13 =	simm.s32 $0x8400;
	s31 =	simm.s32 $0x4000  }
0xdd: {  	[spmem:s1] =	stream.indirect.scatter.add.f32 [tilespmem:s31], [sflag:$0x1], $0x10, s13, s7, $0xb8;
	[tilespmem:$0x8A20] =	vst v63  }
0xde: {  	_ = 	snop  }
0xdf: {  	[spmem:s1] =	stream.indirect.scatter.add.f32 [tilespmem:s15], [sflag:$0x1], $0x10, s14, s7, $0xb8;
	[tilespmem:$0x8A20] =	vst v63  }
0xe0: {  	_ = 	snop  }
0xe1: {  	[spmem:s1] =	stream.indirect.scatter.add.f32 [tilespmem:s17], [sflag:$0x1], $0x10, s16, s7, $0xb8;
	[tilespmem:$0x8A20] =	vst v63  }
0xe2: {  	_ = 	snop  }
0xe3: {  	[spmem:s1] =	stream.indirect.scatter.add.f32 [tilespmem:s19], [sflag:$0x1], $0x10, s18, s7, $0xb8;
	[tilespmem:$0x8A20] =	vst v63  }
0xe4: {  	_ = 	snop  }
0xe5: {  	[spmem:s1] =	stream.indirect.scatter.add.f32 [tilespmem:s22], [sflag:$0x1], $0x10, s21, s7, $0xb8;
	[tilespmem:$0x8A20] =	vst v63  }
0xe6: {  	_ = 	snop  }
0xe7: {  	[spmem:s1] =	stream.indirect.scatter.add.f32 [tilespmem:s24], [sflag:$0x1], $0x10, s23, s7, $0xb8;
	[tilespmem:$0x8A20] =	vst v63  }
0xe8: {  	_ = 	snop  }
0xe9: {  	[spmem:s1] =	stream.indirect.scatter.add.f32 [tilespmem:s26], [sflag:$0x1], $0x10, s25, s7, $0xb8;
	[tilespmem:$0x8A20] =	vst v63  }
0xea: {  	_ = 	snop  }
0xeb: {  	[spmem:s1] =	stream.indirect.scatter.add.f32 [tilespmem:s29], [sflag:$0x1], $0x10, s28, s7, $0xb8;
	[tilespmem:$0x8A20] =	vst v63  }
0xec: {  	_ =	swait.ge [sflag:s8], $0x800  }
0xed: {  	[sflag:s8] =	ssyncset.done $0x0  }
0xee: {  	[sflag:s8] =	ssyncadd.s32 $0xFFFFF800  }
0xef: {  	_ =	swait.ge [sflag:s8], $0x800  }
0xf0: {  	[sflag:s8] =	ssyncset.done $0x0  }
0xf1: {  	[sflag:s8] =	ssyncadd.s32 $0xFFFFF800  }
0xf2: {  	_ =	swait.ge [sflag:s8], $0x800  }
0xf3: {  	[sflag:s8] =	ssyncset.done $0x0  }
0xf4: {  	[sflag:s8] =	ssyncadd.s32 $0xFFFFF800  }
0xf5: {  	_ =	swait.ge [sflag:s8], $0x800  }
0xf6: {  	[sflag:s8] =	ssyncset.done $0x0  }
0xf7: {  	s30 =	sadd.s32 $0xFFFFFFFF, s30;
	[sflag:s8] =	ssyncadd.s32 $0xFFFFF800  }
0xf8: {  	p1 =	sne.s32 s30, $0x0;
	_ =	swait.ge [sflag:s8], $0x800  }
.Ltmp1:
0xf9: {  	[sflag:s8] =	ssyncset.done $0x0;
	(pc) =	sbr.rel @p1 .LBB2_1-.Ltmp1, $4  }
0xfa: {  	[sflag:s8] =	ssyncadd.s32 $0xFFFFF800  }
0xfb: {  	_ =	swait.ge [sflag:s8], $0x800  }
0xfc: {  	[sflag:s8] =	ssyncset.done $0x0  }
0xfd: {  	[sflag:s8] =	ssyncadd.s32 $0xFFFFF800  }
.LBB2_2:
0xfe: {  	_ =	swait.ge [sflag:s8], $0x800  }
0xff: {  	[sflag:s8] =	ssyncset.done $0x0  }
0x100: {  	[sflag:s8] =	ssyncadd.s32 $0xFFFFF800  }
0x101: {  	_ =	swait.ge [sflag:s8], $0x800  }
0x102: {  	[sflag:s8] =	ssyncset.done $0x0  }
0x103: {  	[sflag:s8] =	ssyncadd.s32 $0xFFFFF800  }
0x104: {  	_ =	swait.ge [sflag:s8], $0x800  }
0x105: {  	[sflag:s8] =	ssyncset.done $0x0  }
0x106: {  	[sflag:s8] =	ssyncadd.s32 $0xFFFFF800  }
0x107: {  	_ =	swait.ge [sflag:s8], $0x800  }
0x108: {  	[sflag:s8] =	ssyncset.done $0x0  }
0x109: {  	[sflag:s8] =	ssyncadd.s32 $0xFFFFF800  }
0x10a: {  	_ =	swait.ge [sflag:s8], $0x800  }
0x10b: {  	[sflag:s8] =	ssyncset.done $0x0  }
0x10c: {  	[sflag:s8] =	ssyncadd.s32 $0xFFFFF800  }
0x10d: {  	_ =	swait.ge [sflag:s8], $0x800  }
0x10e: {  	[sflag:s8] =	ssyncset.done $0x0  }
0x10f: {  	[sflag:s8] =	ssyncadd.s32 $0xFFFFF800  }
0x110: {  	_ =	swait.ge [sflag:s8], $0x800  }
0x111: {  	[sflag:s8] =	ssyncset.done $0x0  }
0x112: {  	[sflag:s8] =	ssyncadd.s32 $0xFFFFF800  }
0x113: {  	_ =	swait.ge [sflag:s8], $0x800  }
0x114: {  	[sflag:s8] =	ssyncset.done $0x0  }
0x115: {  	[sflag:s8] =	ssyncadd.s32 $0xFFFFF800  }
0x116: {  	_ =	swait.ge [sflag:s8], $0x800  }
0x117: {  	[sflag:s8] =	ssyncset.done $0x0  }
0x118: {  	[sflag:s8] =	ssyncadd.s32 $0xFFFFF800  }
0x119: {  	_ =	swait.ge [sflag:s8], $0x800  }
0x11a: {  	[sflag:s8] =	ssyncset.done $0x0  }
0x11b: {  	[sflag:s8] =	ssyncadd.s32 $0xFFFFF800  }
0x11c: {  	[bflag:$0x0] =	sbarrier.arrive $0xFFFF  }
0x11d: {  	s1 =	simm.s32 @!p0 $0x1C02;
	s0 =	rddreg [dreg:$0x6]  }
0x11e: {  	[hbm:s0], [sflag:s1] =	dma.local @!p0 [spmem:s20], $0x40  }
0x11f: {  	_ =	swait.ge @!p0 [sflag:s5], $0x40  }
0x120: {  	[sflag:s5] =	ssyncset.done @!p0 $0x0  }
0x121: {  	[sflag:s5] =	ssyncadd.s32 @!p0 $0xFFFFFFC0  }
0x122: {  	_ =	sfence.sel $0x180000  }
0x123: {  	[bflag:$0x0] =	sbarrier.arrive $0xFFFF  }
0x124: {  	_ =	strace $0x90000047  }
0x125: {  	[bflag:$0x2] =	sbarrier.arrive $0xFFFF  }
0x126: {  	s0 =	rddreg [dreg:$0x3]  }
0x127: {  	s0 =	sadd.s32 @!p0 $0x100000, s0  }
0x128: {  	[sflag:s0] =	ssyncadd.tile.s32 @!p0 $0x1;
	_ =	shalt  }
.Lfunc_end2:
_tile_overlayer_lowered:
.L_overlay_start_2:
0x129: {  	(tag) =	ssettag $0x2  }
0x12a: {  	s0 =	rddreg [dreg:$0x0];
	s2 =	stileid.u32  }
0x12b: {  	s1 =	rddreg [dreg:$0x1];
	p0 =	sne.s32 s2, $0x0  }
0x12c: {  	s3 =	rddreg [dreg:$0x2];
	[bflag:$0x3] =	sbarrier.arrive $0xFFFF;
	s2 =	simm.s32 @!p0 $0x1C02  }
0x12d: {  	[timem:s3], [sflag:s2] =	dma.local @!p0 [hbm:s0], s1  }
0x12e: {  	s0 =	simm.s32 @!p0 $0x2  }
0x12f: {  	_ =	swait.ge @!p0 [sflag:s0], s1  }
0x130: {  	s1 =	ssub.s32 @!p0 $0x0, s1;
	[sflag:s0] =	ssyncset.done @!p0 $0x0  }
0x131: {  	[sflag:s0] =	ssyncadd.s32 @!p0 s1  }
0x132: {  	[bflag:$0x3] =	sbarrier.arrive $0xFFFF  }
0x133: {  	_ =	shalt  }

</sc_bundles>
